<compile_context>
chip_gen: v7x
topology: tpu7x:2x2x1
jax: 0.10.2.dev20260603
libtpu: 0.0.44.dev20260713+nightly
codegen_flags: <defaults>
</compile_context>

<pallas_src>
import functools

import jax
import jax.numpy as jnp
from jax import lax
from jax.experimental import pallas as pl
from jax.experimental.pallas import tpu as pltpu
from jax.experimental.pallas import tpu_sc as plsc

ALPHA_THRESHOLD = 1.0 / 255.0
MAX_ALPHA = 0.99
EPS = 1e-8
PIX_OFF = 0.5
H = 128
W = 128
G = 2048
KC = 16
NSTRIP = 16
SH = H // NSTRIP
NSEG = 2
NWORK = NSTRIP * NSEG
SEGG = G // NSEG
CAP = SEGG
NC = 2
LANES = 16
GB = CAP // 128


def _tc_prep_body(pt_ref, prep_ref):
    mx = pt_ref[0:1, :]
    my = pt_ref[1:2, :]
    a = pt_ref[2:3, :]
    b = pt_ref[3:4, :]
    c = pt_ref[4:5, :]
    op = pt_ref[5:6, :]
    det = a * c - b * b
    valid = (op > ALPHA_THRESHOLD) & (det > EPS) & (a > 0.0) & (c > 0.0)
    tau = -2.0 * jnp.log(jnp.maximum(ALPHA_THRESHOLD / jnp.maximum(op, EPS), EPS))
    valid = valid & (tau > 0.0)
    wq = jnp.where(valid, det / jnp.maximum(a, EPS), 0.0)
    tau_b = jnp.where(valid, tau * 1.001 + 1e-5, -1.0)
    prep_ref[0:9, :] = pt_ref[0:9, :]
    prep_ref[9:10, :] = jnp.where(valid, tau, -1.0)
    prep_ref[10:16, :] = jnp.zeros((6, G), jnp.float32)
    prep_ref[16:17, :] = wq
    prep_ref[17:18, :] = tau_b
    prep_ref[18:24, :] = jnp.zeros((6, G), jnp.float32)


def _sc_bin_body(prep_h, params_h, gp_h, counts_h,
                 my_v, wq_v, tau_v, idx_v, rows_v, cnt_v, sem):
    wid = lax.axis_index("s") * NC + lax.axis_index("c")
    strip = wid // NSEG
    seg = wid % NSEG

    base = seg * SEGG
    pltpu.sync_copy(prep_h.at[1, pl.ds(base, SEGG)], my_v)
    pltpu.sync_copy(prep_h.at[16, pl.ds(base, SEGG)], wq_v)
    pltpu.sync_copy(prep_h.at[17, pl.ds(base, SEGG)], tau_v)

    ylo_c = strip.astype(jnp.float32) * float(SH) + PIX_OFF
    yhi_c = ylo_c + float(SH - 1)

    def zero_body(i, _):
        idx_v[i // 8, pl.ds((i % 8) * LANES, LANES)] = jnp.full((LANES,), G, jnp.int32)
        return 0

    lax.fori_loop(0, CAP // LANES, zero_body, 0)

    lane = lax.iota(jnp.int32, LANES) + base

    def scan_body(i, cnt):
        sl = pl.ds(i * LANES, LANES)
        myv = my_v[sl]
        wqv = wq_v[sl]
        tauv = tau_v[sl]
        dy = jnp.clip(myv, ylo_c, yhi_c) - myv
        m = (dy * dy) * wqv <= tauv
        pos = cnt + plsc.cumsum(m.astype(jnp.int32)) - 1
        ids = lane + i * LANES
        plsc.store_scatter(idx_v, [lax.div(pos, 128), lax.rem(pos, 128)], ids, mask=m)
        return cnt + plsc.all_reduce_population_count(m)

    cnt = lax.fori_loop(0, SEGG // LANES, scan_body, jnp.zeros((LANES,), jnp.int32))
    cnt_v[...] = cnt
    count = jnp.max(cnt)
    pltpu.sync_copy(cnt_v, counts_h.at[wid])

    for j in range(GB):
        @pl.when(count > j * 128)
        def _gather(j=j):
            pltpu.async_copy(params_h.at[idx_v.at[j]], rows_v.at[j], sem).wait()
            pltpu.sync_copy(rows_v.at[j], gp_h.at[wid, j])


_sc_bin = functools.partial(
    pl.kernel,
    out_type=(
        jax.ShapeDtypeStruct((NWORK, GB, 128, 16), jnp.float32),
        jax.ShapeDtypeStruct((NWORK, LANES), jnp.int32),
    ),
    mesh=plsc.VectorSubcoreMesh(core_axis_name="c", subcore_axis_name="s"),
    compiler_params=pltpu.CompilerParams(
        needs_layout_passes=False, use_tc_tiling_on_sc=False),
    scratch_types=[
        pltpu.VMEM((SEGG,), jnp.float32),
        pltpu.VMEM((SEGG,), jnp.float32),
        pltpu.VMEM((SEGG,), jnp.float32),
        pltpu.VMEM((GB, 128), jnp.int32),
        pltpu.VMEM((GB, 128, 16), jnp.float32),
        pltpu.VMEM((LANES,), jnp.int32),
        pltpu.SemaphoreType.DMA,
    ],
)(_sc_bin_body)


def _tc_comp_body(counts_ref, bg_ref, gp_ref, out_ref,
                  accr, accg, accb, trans_ref):
    i = pl.program_id(0)
    strip = i // NSEG
    seg = lax.rem(i, NSEG)

    @pl.when(seg == 0)
    def _init():
        accr[:, :] = jnp.zeros((SH, W), jnp.float32)
        accg[:, :] = jnp.zeros((SH, W), jnp.float32)
        accb[:, :] = jnp.zeros((SH, W), jnp.float32)
        trans_ref[:, :] = jnp.ones((SH, W), jnp.float32)

    count = counts_ref[i, 0]
    nch = lax.div(count + (KC - 1), KC)

    xs = jax.lax.broadcasted_iota(jnp.int32, (1, 1, W), 2).astype(jnp.float32) + PIX_OFF
    ys = (jax.lax.broadcasted_iota(jnp.int32, (1, SH, 1), 1) + strip * SH
          ).astype(jnp.float32) + PIX_OFF

    def chunk(jc, _):
        t = trans_ref[:, :]
        p = gp_ref[0, pl.ds(jc * KC, KC), :]
        mx = p[:, 0:1][:, :, None]
        my = p[:, 1:2][:, :, None]
        a = p[:, 2:3][:, :, None]
        b = p[:, 3:4][:, :, None]
        c = p[:, 4:5][:, :, None]
        op = p[:, 5:6][:, :, None]
        tau = p[:, 9:10][:, :, None]

        dx = xs - mx
        dy = ys - my
        q = a * (dx * dx) + 2.0 * b * (dx * dy) + c * (dy * dy)
        alpha = jnp.where(q <= tau, op * jnp.exp(-0.5 * q), 0.0)
        alpha = jnp.minimum(alpha, MAX_ALPHA)

        cr = p[:, 6:7][:, :, None]
        cg = p[:, 7:8][:, :, None]
        cb = p[:, 8:9][:, :, None]
        ws = []
        for g in range(KC):
            ag = alpha[g]
            ws.append(t * ag)
            t = t * (1.0 - ag)
        wstack = jnp.stack(ws, axis=0)
        accr[:, :] += jnp.sum(wstack * cr, axis=0)
        accg[:, :] += jnp.sum(wstack * cg, axis=0)
        accb[:, :] += jnp.sum(wstack * cb, axis=0)
        trans_ref[:, :] = t
        return 0

    lax.fori_loop(0, nch, chunk, 0)

    @pl.when(seg == NSEG - 1)
    def _fin():
        tt = trans_ref[:, :]
        out_ref[0, :, :] = accr[:, :] + tt * bg_ref[0]
        out_ref[1, :, :] = accg[:, :] + tt * bg_ref[1]
        out_ref[2, :, :] = accb[:, :] + tt * bg_ref[2]


def kernel(means2d, conics, colors, opacities, depths, background, image_height, image_width):
    order = jnp.argsort(lax.stop_gradient(depths))
    params = jnp.zeros((G, 16), jnp.float32)
    params = params.at[:, 0:2].set(means2d)
    params = params.at[:, 2:5].set(conics)
    params = params.at[:, 5].set(opacities)
    params = params.at[:, 6:9].set(colors)
    params = jnp.take(params, order, axis=0)

    prep = pl.pallas_call(
        _tc_prep_body,
        in_specs=[pl.BlockSpec((16, G), lambda: (0, 0))],
        out_specs=pl.BlockSpec((24, G), lambda: (0, 0)),
        out_shape=jax.ShapeDtypeStruct((24, G), jnp.float32),
    )(params.T)

    params_aug = jnp.concatenate(
        [prep[0:16].T, jnp.zeros((8, 16), jnp.float32)], axis=0)
    gp, counts = _sc_bin(prep, params_aug)
    gp = gp.reshape(NWORK, CAP, 16)

    out = pl.pallas_call(
        _tc_comp_body,
        grid=(NWORK,),
        in_specs=[
            pl.BlockSpec(memory_space=pltpu.SMEM),
            pl.BlockSpec(memory_space=pltpu.SMEM),
            pl.BlockSpec((1, CAP, 16), lambda i: (i, 0, 0)),
        ],
        out_specs=pl.BlockSpec((3, SH, W), lambda i: (0, i // NSEG, 0)),
        out_shape=jax.ShapeDtypeStruct((3, H, W), jnp.float32),
        scratch_shapes=[
            pltpu.VMEM((SH, W), jnp.float32),
            pltpu.VMEM((SH, W), jnp.float32),
            pltpu.VMEM((SH, W), jnp.float32),
            pltpu.VMEM((SH, W), jnp.float32),
        ],
    )(counts, background.astype(jnp.float32), gp)
    return jnp.transpose(out, (1, 2, 0)).astype(means2d.dtype)

# --- scband reference (transcript-rebuilt; emitter-appended) ---
"""Pipeline reference for scband-memory-efficient-gaussian-rasterizer-76897094467844 (READ-ONLY COPY).

The authoritative reference and input builder live on the scoring server;
editing this copy changes nothing except your own understanding.
"""

import jax, jax.numpy as jnp
import numpy as np

ALPHA_THRESHOLD = 1.0 / 255.0
MAX_ALPHA = 0.99
EPS = 1e-8
PIX_OFF = 0.5


def _rasterize(means2d, conics, colors, opacities, depths, background, image_height, image_width):
    H = 128
    W = 128
    zero_hw = (jnp.asarray(image_height, jnp.float32) - float(H)) * 0.0 + (jnp.asarray(image_width, jnp.float32) - float(W)) * 0.0
    C = colors.shape[1]
    # stable front-to-back depth ordering (jnp.argsort is stable by default)
    order = jnp.argsort(jax.lax.stop_gradient(depths))
    means_s = jnp.take(means2d, order, axis=0)
    conics_s = jnp.take(conics, order, axis=0)
    colors_s = jnp.take(colors, order, axis=0)
    op_s = jnp.take(opacities, order, axis=0)
    xs = jnp.arange(W, dtype=jnp.float32) + PIX_OFF + zero_hw
    ys = jnp.arange(H, dtype=jnp.float32) + PIX_OFF + zero_hw
    a = conics_s[:, 0]
    b = conics_s[:, 1]
    c = conics_s[:, 2]
    det = a * c - b * b
    tau = -2.0 * jnp.log(jnp.maximum(ALPHA_THRESHOLD / jnp.maximum(op_s, EPS), EPS))
    # skip conditions from the torch loop: low opacity, non-PD conic, non-positive tau
    valid = (op_s > ALPHA_THRESHOLD) & (det > EPS) & (a > 0.0) & (c > 0.0) & (tau > 0.0)

    def step(carry, inp):
        accum, trans = carry
        m, con, col, op, tau_i, v = inp
        dx = xs[None, :] - m[0]
        dy = ys[:, None] - m[1]
        q = con[0] * dx * dx + 2.0 * con[1] * dx * dy + con[2] * dy * dy
        # exact ellipse mask q <= tau; equivalent to torch bbox+mask since alpha=0 outside
        mask = (q <= tau_i) & v
        alpha = jnp.where(mask, op * jnp.exp(-0.5 * q), 0.0)
        alpha = jnp.clip(alpha, 0.0, MAX_ALPHA)
        w = trans * alpha
        accum = accum + w[..., None] * col[None, None, :].astype(jnp.float32)
        trans = trans * (1.0 - alpha)
        return (accum, trans), None

    accum0 = jnp.zeros((H, W, C), dtype=jnp.float32)
    trans0 = jnp.ones((H, W), dtype=jnp.float32)
    (accum, trans), _ = jax.lax.scan(jax.checkpoint(step), (accum0, trans0), (means_s, conics_s, colors_s, op_s, tau, valid))
    out = accum + trans[..., None] * background.astype(jnp.float32)[None, None, :]
    return out.astype(means2d.dtype)


def setup_inputs(seed: int = 0) -> dict:
    key = jax.random.key(seed)
    ks = jax.random.split(key, 8)
    G, H, W, C = 2048, 128, 128, 3
    means2d = jax.random.uniform(ks[0], (G, 2), dtype=jnp.float32) * jnp.array([float(W), float(H)], dtype=jnp.float32)
    a = jax.random.uniform(ks[1], (G,), dtype=jnp.float32) * 0.25 + 0.05
    c = jax.random.uniform(ks[2], (G,), dtype=jnp.float32) * 0.25 + 0.05
    b = (jax.random.uniform(ks[3], (G,), dtype=jnp.float32) - 0.5) * 0.2 * jnp.sqrt(a * c)
    conics = jnp.stack([a, b, c], axis=-1)
    colors = jax.random.uniform(ks[4], (G, C), dtype=jnp.float32)
    opacities = jax.random.uniform(ks[5], (G,), dtype=jnp.float32) * 0.98 + 0.01
    depths = jax.random.uniform(ks[6], (G,), dtype=jnp.float32) * 10.0
    background = jax.random.uniform(ks[7], (C,), dtype=jnp.float32)
    return {"means2d": means2d, "conics": conics, "colors": colors, "opacities": opacities, "depths": depths, "background": background, "image_height": H, "image_width": W}


def reference(means2d, conics, colors, opacities, depths, background, image_height, image_width):
    return _rasterize(means2d, conics, colors, opacities, depths, background, image_height, image_width)

if __name__ == "__main__":
    import jax
    _d = setup_inputs()
    print(jax.jit(kernel)(*tuple(_d.values())))

</pallas_src>

<mosaic_0001>
#map = affine_map<(d0, d1) -> (0, 0)>
#map1 = affine_map<(d0, d1) -> (0, 0, 0, 0)>
module attributes {stable_mosaic.version = 14 : i64} {
  func.func @_sc_bin_body(%arg0: i32, %arg1: i32, %arg2: memref<24x2048xf32, #tpu.memory_space<hbm>>, %arg3: memref<2056x16xf32, #tpu.memory_space<hbm>>, %arg4: memref<32x8x128x16xf32, #tpu.memory_space<hbm>>, %arg5: memref<32x16xi32, #tpu.memory_space<hbm>>, %arg6: memref<1024xf32, #tpu.memory_space<vmem>>, %arg7: memref<1024xf32, #tpu.memory_space<vmem>>, %arg8: memref<1024xf32, #tpu.memory_space<vmem>>, %arg9: memref<8x128xi32, #tpu.memory_space<vmem>>, %arg10: memref<8x128x16xf32, #tpu.memory_space<vmem>>, %arg11: memref<16xi32, #tpu.memory_space<vmem>>, %arg12: memref<!tpu.dma_semaphore, #tpu.memory_space<semaphore_mem>>) attributes {dimension_semantics = [#tpu.dimension_semantics<core_parallel>, #tpu.dimension_semantics<subcore_parallel>], iteration_bounds = array<i64: 2, 16>, scalar_prefetch = 0 : i64, scratch_operands = 7 : i64, tpu.core_type = #tpu.core_type<sc_vector_subcore>, window_params = [{transform_indices = #map}, {transform_indices = #map}, {transform_indices = #map1}, {transform_indices = #map}]} {
    %mul3A = arith.constant 2 : i32
    %mul3A_0 = arith.muli %arg1, %mul3A : i32
    %add3A = arith.addi %mul3A_0, %arg0 : i32
    %jit3A = arith.constant 2 : i32
    %div3A = arith.divsi %add3A, %jit3A : i32
    %sign3A = arith.constant 0 : i32
    %sign3A_1 = arith.cmpi sgt, %add3A, %sign3A : i32
    %sign3A_2 = arith.extui %sign3A_1 : i1 to i32
    %sign3A_3 = arith.constant 0 : i32
    %sign3A_4 = arith.cmpi slt, %add3A, %sign3A_3 : i32
    %sign3A_5 = arith.extui %sign3A_4 : i1 to i32
    %sign3A_6 = arith.subi %sign3A_2, %sign3A_5 : i32
    %sign3A_7 = arith.constant 0 : i32
    %sign3A_8 = arith.cmpi sgt, %jit3A, %sign3A_7 : i32
    %sign3A_9 = arith.extui %sign3A_8 : i1 to i32
    %sign3A_10 = arith.constant 0 : i32
    %sign3A_11 = arith.cmpi slt, %jit3A, %sign3A_10 : i32
    %sign3A_12 = arith.extui %sign3A_11 : i1 to i32
    %sign3A_13 = arith.subi %sign3A_9, %sign3A_12 : i32
    %ne3A = arith.cmpi ne, %sign3A_6, %sign3A_13 : i32
    %rem3A = arith.remsi %add3A, %jit3A : i32
    %ne3A_14 = arith.constant 0 : i32
    %ne3A_15 = arith.cmpi ne, %rem3A, %ne3A_14 : i32
    %and3A = arith.andi %ne3A, %ne3A_15 : i1
    %sub3A = arith.constant 1 : i32
    %sub3A_16 = arith.subi %div3A, %sub3A : i32
    %select_n3A = arith.select %and3A, %sub3A_16, %div3A : i32
    %jit3A_17 = arith.constant 2 : i32
    %eq3A = arith.constant 0 : i32
    %eq3A_18 = arith.cmpi eq, %jit3A_17, %eq3A : i32
    %jit3A_19 = arith.constant 1 : i32
    %select_n3A_20 = arith.select %eq3A_18, %jit3A_19, %jit3A_17 : i32
    %rem3A_21 = arith.remsi %add3A, %select_n3A_20 : i32
    %ne3A_22 = arith.constant 0 : i32
    %ne3A_23 = arith.cmpi ne, %rem3A_21, %ne3A_22 : i32
    %lt3A = arith.constant 0 : i32
    %lt3A_24 = arith.cmpi slt, %rem3A_21, %lt3A : i32
    %lt3A_25 = arith.constant 0 : i32
    %lt3A_26 = arith.cmpi slt, %select_n3A_20, %lt3A_25 : i32
    %ne3A_27 = arith.xori %lt3A_24, %lt3A_26 : i1
    %and3A_28 = arith.andi %ne3A_27, %ne3A_23 : i1
    %add3A_29 = arith.addi %rem3A_21, %select_n3A_20 : i32
    %select_n3A_30 = arith.select %and3A_28, %add3A_29, %rem3A_21 : i32
    %mul3A_31 = arith.constant 1024 : i32
    %mul3A_32 = arith.muli %select_n3A_30, %mul3A_31 : i32
    %run_scoped3A = arith.constant 1 : i32
    "tpu.region"() ({
      %run_scoped3A_102 = tpu.sem_alloc : memref<!tpu.dma_semaphore, #tpu.memory_space<semaphore_mem>>
      %dma_start3A = tpu.memref_slice %arg2[%run_scoped3A, %mul3A_32] : memref<24x2048xf32, #tpu.memory_space<hbm>> -> memref<1x1024xf32, #tpu.memory_space<hbm>>
      %dma_start3A_103 = tpu.memref_squeeze %dma_start3A : memref<1x1024xf32, #tpu.memory_space<hbm>> -> memref<1024xf32, #tpu.memory_space<hbm>>
      %dma_start3A_104 = tpu.memref_slice %arg2[%run_scoped3A, %mul3A_32] : memref<24x2048xf32, #tpu.memory_space<hbm>> -> memref<1x1024xf32, #tpu.memory_space<hbm>>
      %dma_start3A_105 = tpu.memref_squeeze %dma_start3A_104 : memref<1x1024xf32, #tpu.memory_space<hbm>> -> memref<1024xf32, #tpu.memory_space<hbm>>
      tpu.enqueue_dma source(%dma_start3A_105 : memref<1024xf32, #tpu.memory_space<hbm>>) target(%arg6 : memref<1024xf32, #tpu.memory_space<vmem>>) target_semaphore(%run_scoped3A_102 : memref<!tpu.dma_semaphore, #tpu.memory_space<semaphore_mem>>)
      %dma_wait3A = tpu.memref_slice %arg2[%run_scoped3A, %mul3A_32] : memref<24x2048xf32, #tpu.memory_space<hbm>> -> memref<1x1024xf32, #tpu.memory_space<hbm>>
      %dma_wait3A_106 = tpu.memref_squeeze %dma_wait3A : memref<1x1024xf32, #tpu.memory_space<hbm>> -> memref<1024xf32, #tpu.memory_space<hbm>>
      %dma_wait3A_107 = tpu.memref_slice %arg2[%run_scoped3A, %mul3A_32] : memref<24x2048xf32, #tpu.memory_space<hbm>> -> memref<1x1024xf32, #tpu.memory_space<hbm>>
      %dma_wait3A_108 = tpu.memref_squeeze %dma_wait3A_107 : memref<1x1024xf32, #tpu.memory_space<hbm>> -> memref<1024xf32, #tpu.memory_space<hbm>>
      tpu.wait_dma2 semaphore(%run_scoped3A_102 : memref<!tpu.dma_semaphore, #tpu.memory_space<semaphore_mem>>) src(%dma_wait3A_108 : memref<1024xf32, #tpu.memory_space<hbm>>) dst(%arg6 : memref<1024xf32, #tpu.memory_space<vmem>>)
      tpu.yield
    }) : () -> ()
    %run_scoped3A_33 = arith.constant 16 : i32
    "tpu.region"() ({
      %run_scoped3A_102 = tpu.sem_alloc : memref<!tpu.dma_semaphore, #tpu.memory_space<semaphore_mem>>
      %dma_start3A = tpu.memref_slice %arg2[%run_scoped3A_33, %mul3A_32] : memref<24x2048xf32, #tpu.memory_space<hbm>> -> memref<1x1024xf32, #tpu.memory_space<hbm>>
      %dma_start3A_103 = tpu.memref_squeeze %dma_start3A : memref<1x1024xf32, #tpu.memory_space<hbm>> -> memref<1024xf32, #tpu.memory_space<hbm>>
      %dma_start3A_104 = tpu.memref_slice %arg2[%run_scoped3A_33, %mul3A_32] : memref<24x2048xf32, #tpu.memory_space<hbm>> -> memref<1x1024xf32, #tpu.memory_space<hbm>>
      %dma_start3A_105 = tpu.memref_squeeze %dma_start3A_104 : memref<1x1024xf32, #tpu.memory_space<hbm>> -> memref<1024xf32, #tpu.memory_space<hbm>>
      tpu.enqueue_dma source(%dma_start3A_105 : memref<1024xf32, #tpu.memory_space<hbm>>) target(%arg7 : memref<1024xf32, #tpu.memory_space<vmem>>) target_semaphore(%run_scoped3A_102 : memref<!tpu.dma_semaphore, #tpu.memory_space<semaphore_mem>>)
      %dma_wait3A = tpu.memref_slice %arg2[%run_scoped3A_33, %mul3A_32] : memref<24x2048xf32, #tpu.memory_space<hbm>> -> memref<1x1024xf32, #tpu.memory_space<hbm>>
      %dma_wait3A_106 = tpu.memref_squeeze %dma_wait3A : memref<1x1024xf32, #tpu.memory_space<hbm>> -> memref<1024xf32, #tpu.memory_space<hbm>>
      %dma_wait3A_107 = tpu.memref_slice %arg2[%run_scoped3A_33, %mul3A_32] : memref<24x2048xf32, #tpu.memory_space<hbm>> -> memref<1x1024xf32, #tpu.memory_space<hbm>>
      %dma_wait3A_108 = tpu.memref_squeeze %dma_wait3A_107 : memref<1x1024xf32, #tpu.memory_space<hbm>> -> memref<1024xf32, #tpu.memory_space<hbm>>
      tpu.wait_dma2 semaphore(%run_scoped3A_102 : memref<!tpu.dma_semaphore, #tpu.memory_space<semaphore_mem>>) src(%dma_wait3A_108 : memref<1024xf32, #tpu.memory_space<hbm>>) dst(%arg7 : memref<1024xf32, #tpu.memory_space<vmem>>)
      tpu.yield
    }) : () -> ()
    %run_scoped3A_34 = arith.constant 17 : i32
    "tpu.region"() ({
      %run_scoped3A_102 = tpu.sem_alloc : memref<!tpu.dma_semaphore, #tpu.memory_space<semaphore_mem>>
      %dma_start3A = tpu.memref_slice %arg2[%run_scoped3A_34, %mul3A_32] : memref<24x2048xf32, #tpu.memory_space<hbm>> -> memref<1x1024xf32, #tpu.memory_space<hbm>>
      %dma_start3A_103 = tpu.memref_squeeze %dma_start3A : memref<1x1024xf32, #tpu.memory_space<hbm>> -> memref<1024xf32, #tpu.memory_space<hbm>>
      %dma_start3A_104 = tpu.memref_slice %arg2[%run_scoped3A_34, %mul3A_32] : memref<24x2048xf32, #tpu.memory_space<hbm>> -> memref<1x1024xf32, #tpu.memory_space<hbm>>
      %dma_start3A_105 = tpu.memref_squeeze %dma_start3A_104 : memref<1x1024xf32, #tpu.memory_space<hbm>> -> memref<1024xf32, #tpu.memory_space<hbm>>
      tpu.enqueue_dma source(%dma_start3A_105 : memref<1024xf32, #tpu.memory_space<hbm>>) target(%arg8 : memref<1024xf32, #tpu.memory_space<vmem>>) target_semaphore(%run_scoped3A_102 : memref<!tpu.dma_semaphore, #tpu.memory_space<semaphore_mem>>)
      %dma_wait3A = tpu.memref_slice %arg2[%run_scoped3A_34, %mul3A_32] : memref<24x2048xf32, #tpu.memory_space<hbm>> -> memref<1x1024xf32, #tpu.memory_space<hbm>>
      %dma_wait3A_106 = tpu.memref_squeeze %dma_wait3A : memref<1x1024xf32, #tpu.memory_space<hbm>> -> memref<1024xf32, #tpu.memory_space<hbm>>
      %dma_wait3A_107 = tpu.memref_slice %arg2[%run_scoped3A_34, %mul3A_32] : memref<24x2048xf32, #tpu.memory_space<hbm>> -> memref<1x1024xf32, #tpu.memory_space<hbm>>
      %dma_wait3A_108 = tpu.memref_squeeze %dma_wait3A_107 : memref<1x1024xf32, #tpu.memory_space<hbm>> -> memref<1024xf32, #tpu.memory_space<hbm>>
      tpu.wait_dma2 semaphore(%run_scoped3A_102 : memref<!tpu.dma_semaphore, #tpu.memory_space<semaphore_mem>>) src(%dma_wait3A_108 : memref<1024xf32, #tpu.memory_space<hbm>>) dst(%arg8 : memref<1024xf32, #tpu.memory_space<vmem>>)
      tpu.yield
    }) : () -> ()
    %convert_element_type3A = arith.sitofp %select_n3A : i32 to f32
    %mul3A_35 = arith.constant 8.000000e+00 : f32
    %mul3A_36 = arith.mulf %convert_element_type3A, %mul3A_35 : f32
    %add3A_37 = arith.constant 5.000000e-01 : f32
    %add3A_38 = arith.addf %mul3A_36, %add3A_37 : f32
    %add3A_39 = arith.constant 7.000000e+00 : f32
    %add3A_40 = arith.addf %add3A_38, %add3A_39 : f32
    %scan3A = arith.constant 0 : i32
    %scan3A_41 = arith.constant 0 : i32
    %scan3A_42 = arith.constant 64 : i32
    %scan3A_43 = arith.addi %scan3A_41, %scan3A_42 : i32
    %scan3A_44 = arith.constant 1 : i32
    %scan3A_45 = scf.for %scan3A_102 = %scan3A_41 to %scan3A_43 step %scan3A_44 iter_args(%scan3A_103 = %scan3A) -> (i32)  : i32 {
      %broadcast_in_dim3A_104 = arith.constant 2048 : i32
      %broadcast_in_dim3A_105 = vector.broadcast %broadcast_in_dim3A_104 : i32 to vector<16xi32>
      %jit3A_106 = arith.constant 8 : i32
      %div3A_107 = arith.divsi %scan3A_102, %jit3A_106 : i32
      %sign3A_108 = arith.constant 0 : i32
      %sign3A_109 = arith.cmpi sgt, %scan3A_102, %sign3A_108 : i32
      %sign3A_110 = arith.extui %sign3A_109 : i1 to i32
      %sign3A_111 = arith.constant 0 : i32
      %sign3A_112 = arith.cmpi slt, %scan3A_102, %sign3A_111 : i32
      %sign3A_113 = arith.extui %sign3A_112 : i1 to i32
      %sign3A_114 = arith.subi %sign3A_110, %sign3A_113 : i32
      %sign3A_115 = arith.constant 0 : i32
      %sign3A_116 = arith.cmpi sgt, %jit3A_106, %sign3A_115 : i32
      %sign3A_117 = arith.extui %sign3A_116 : i1 to i32
      %sign3A_118 = arith.constant 0 : i32
      %sign3A_119 = arith.cmpi slt, %jit3A_106, %sign3A_118 : i32
      %sign3A_120 = arith.extui %sign3A_119 : i1 to i32
      %sign3A_121 = arith.subi %sign3A_117, %sign3A_120 : i32
      %ne3A_122 = arith.cmpi ne, %sign3A_114, %sign3A_121 : i32
      %rem3A_123 = arith.remsi %scan3A_102, %jit3A_106 : i32
      %ne3A_124 = arith.constant 0 : i32
      %ne3A_125 = arith.cmpi ne, %rem3A_123, %ne3A_124 : i32
      %and3A_126 = arith.andi %ne3A_122, %ne3A_125 : i1
      %sub3A_127 = arith.constant 1 : i32
      %sub3A_128 = arith.subi %div3A_107, %sub3A_127 : i32
      %select_n3A_129 = arith.select %and3A_126, %sub3A_128, %div3A_107 : i32
      %jit3A_130 = arith.constant 8 : i32
      %eq3A_131 = arith.constant 0 : i32
      %eq3A_132 = arith.cmpi eq, %jit3A_130, %eq3A_131 : i32
      %jit3A_133 = arith.constant 1 : i32
      %select_n3A_134 = arith.select %eq3A_132, %jit3A_133, %jit3A_130 : i32
      %rem3A_135 = arith.remsi %scan3A_102, %select_n3A_134 : i32
      %ne3A_136 = arith.constant 0 : i32
      %ne3A_137 = arith.cmpi ne, %rem3A_135, %ne3A_136 : i32
      %lt3A_138 = arith.constant 0 : i32
      %lt3A_139 = arith.cmpi slt, %rem3A_135, %lt3A_138 : i32
      %lt3A_140 = arith.constant 0 : i32
      %lt3A_141 = arith.cmpi slt, %select_n3A_134, %lt3A_140 : i32
      %ne3A_142 = arith.xori %lt3A_139, %lt3A_141 : i1
      %and3A_143 = arith.andi %ne3A_142, %ne3A_137 : i1
      %add3A_144 = arith.addi %rem3A_135, %select_n3A_134 : i32
      %select_n3A_145 = arith.select %and3A_143, %add3A_144, %rem3A_135 : i32
      %mul3A_146 = arith.constant 16 : i32
      %mul3A_147 = arith.muli %select_n3A_145, %mul3A_146 : i32
      %swap3A_148 = arith.index_cast %select_n3A_129 : i32 to index
      %swap3A_149 = arith.index_cast %mul3A_147 : i32 to index
      %swap3A_150 = tpu.vector_load %arg9[%swap3A_148, %swap3A_149] {strides = array<i32>} : memref<8x128xi32, #tpu.memory_space<vmem>>, vector<16xi32>,
      tpu.vector_store %arg9[%swap3A_148, %swap3A_149], %broadcast_in_dim3A_105 {strides = array<i32>} : memref<8x128xi32, #tpu.memory_space<vmem>>, vector<16xi32>,
      %scan3A_151 = arith.constant 0 : i32
      scf.yield %scan3A_151 : i32
    }
    %scan3A_46 = arith.constant 64 : i32
    %iota3A = tpu.iota {dimensions = array<i32: 0>} : vector<16xi32>
    %add3A_47 = vector.broadcast %mul3A_32 : i32 to vector<16xi32>
    %add3A_48 = arith.addi %iota3A, %add3A_47 : vector<16xi32>
    %broadcast_in_dim3A = arith.constant 0 : i32
    %broadcast_in_dim3A_49 = vector.broadcast %broadcast_in_dim3A : i32 to vector<16xi32>
    %scan3A_50 = arith.constant 0 : i32
    %scan3A_51 = arith.constant 64 : i32
    %scan3A_52 = arith.addi %scan3A_50, %scan3A_51 : i32
    %scan3A_53 = arith.constant 1 : i32
    %scan3A_54 = scf.for %scan3A_102 = %scan3A_50 to %scan3A_52 step %scan3A_53 iter_args(%scan3A_103 = %broadcast_in_dim3A_49) -> (vector<16xi32>)  : i32 {
      %mul3A_104 = arith.constant 16 : i32
      %mul3A_105 = arith.muli %scan3A_102, %mul3A_104 : i32
      %get3A = arith.index_cast %mul3A_105 : i32 to index
      %get3A_106 = tpu.vector_load %arg6[%get3A] {strides = array<i32>} : memref<1024xf32, #tpu.memory_space<vmem>>, vector<16xf32>,
      %get3A_107 = arith.index_cast %mul3A_105 : i32 to index
      %get3A_108 = tpu.vector_load %arg7[%get3A_107] {strides = array<i32>} : memref<1024xf32, #tpu.memory_space<vmem>>, vector<16xf32>,
      %get3A_109 = arith.index_cast %mul3A_105 : i32 to index
      %get3A_110 = tpu.vector_load %arg8[%get3A_109] {strides = array<i32>} : memref<1024xf32, #tpu.memory_space<vmem>>, vector<16xf32>,
      %max3A = vector.broadcast %add3A_38 : f32 to vector<16xf32>
      %max3A_111 = arith.maximumf %max3A, %get3A_106 : vector<16xf32>
      %min3A = vector.broadcast %add3A_40 : f32 to vector<16xf32>
      %min3A_112 = arith.minimumf %min3A, %max3A_111 : vector<16xf32>
      %sub3A_113 = arith.subf %min3A_112, %get3A_106 : vector<16xf32>
      %mul3A_114 = arith.mulf %sub3A_113, %sub3A_113 : vector<16xf32>
      %mul3A_115 = arith.mulf %mul3A_114, %get3A_108 : vector<16xf32>
      %le3A = arith.cmpf ole, %mul3A_115, %get3A_110 : vector<16xf32>
      %convert_element_type3A_116 = arith.extui %le3A : vector<16xi1> to vector<16xi32>
      %broadcast_in_dim3A_117 = arith.constant true
      %broadcast_in_dim3A_118 = vector.broadcast %broadcast_in_dim3A_117 : i1 to vector<16xi1>
      %masked_cumsum3A = tpu.scan <sum>, %convert_element_type3A_116 masked %broadcast_in_dim3A_118 : vector<16xi32>, vector<16xi1> -> vector<16xi32>
      %add3A_119 = arith.addi %scan3A_103, %masked_cumsum3A : vector<16xi32>
      %sub3A_120 = arith.constant 1 : i32
      %sub3A_121 = vector.broadcast %sub3A_120 : i32 to vector<16xi32>
      %sub3A_122 = arith.subi %add3A_119, %sub3A_121 : vector<16xi32>
      %mul3A_123 = arith.constant 16 : i32
      %mul3A_124 = arith.muli %scan3A_102, %mul3A_123 : i32
      %add3A_125 = vector.broadcast %mul3A_124 : i32 to vector<16xi32>
      %add3A_126 = arith.addi %add3A_48, %add3A_125 : vector<16xi32>
      %div3A_127 = arith.constant 128 : i32
      %div3A_128 = vector.broadcast %div3A_127 : i32 to vector<16xi32>
      %div3A_129 = arith.divsi %sub3A_122, %div3A_128 : vector<16xi32>
      %rem3A_130 = arith.constant 128 : i32
      %rem3A_131 = vector.broadcast %rem3A_130 : i32 to vector<16xi32>
      %rem3A_132 = arith.remsi %sub3A_122, %rem3A_131 : vector<16xi32>
      tpu.vector_store_idx %arg9[%div3A_129, %rem3A_132], %add3A_126 masked %le3A : memref<8x128xi32, #tpu.memory_space<vmem>>[vector<16xi32>, vector<16xi32>], vector<16xi32>, vector<16xi1>
      %all_reduce_population_count3A = tpu.all_reduce %le3A {dim = 0 : i64, kind = #tpu.reduction_kind<sum>} : vector<16xi1> -> vector<16xi32>
      %add3A_133 = arith.addi %scan3A_103, %all_reduce_population_count3A : vector<16xi32>
      scf.yield %add3A_133 : vector<16xi32>
    }
    %scan3A_55 = arith.constant 64 : i32
    %swap3A = arith.constant 0 : index
    %swap3A_56 = tpu.vector_load %arg11[%swap3A] {strides = array<i32>} : memref<16xi32, #tpu.memory_space<vmem>>, vector<16xi32>,
    tpu.vector_store %arg11[%swap3A], %scan3A_54 {strides = array<i32>} : memref<16xi32, #tpu.memory_space<vmem>>, vector<16xi32>,
    %reduce_max3A = arith.constant true
    %reduce_max3A_57 = vector.broadcast %reduce_max3A : i1 to vector<16xi1>
    %reduce_max3A_58 = arith.constant -2147483648 : i32
    %reduce_max3A_59 = vector.broadcast %reduce_max3A_58 : i32 to vector<16xi32>
    %reduce_max3A_60 = arith.xori %scan3A_54, %reduce_max3A_59 : vector<16xi32>
    %reduce_max3A_61 = tpu.scan <max>, %reduce_max3A_60 masked %reduce_max3A_57 : vector<16xi32>, vector<16xi1> -> vector<16xi32>
    %reduce_max3A_62 = arith.xori %reduce_max3A_61, %reduce_max3A_59 : vector<16xi32>
    %reduce_max3A_63 = vector.extract %reduce_max3A_62[15] : i32 from vector<16xi32>
    "tpu.region"() ({
      %run_scoped3A_102 = tpu.sem_alloc : memref<!tpu.dma_semaphore, #tpu.memory_space<semaphore_mem>>
      %dma_start3A = arith.constant 0 : i32
      %dma_start3A_103 = tpu.memref_slice %arg5[%add3A, %dma_start3A] : memref<32x16xi32, #tpu.memory_space<hbm>> -> memref<1x16xi32, #tpu.memory_space<hbm>>
      %dma_start3A_104 = tpu.memref_squeeze %dma_start3A_103 : memref<1x16xi32, #tpu.memory_space<hbm>> -> memref<16xi32, #tpu.memory_space<hbm>>
      %dma_start3A_105 = arith.constant 0 : i32
      %dma_start3A_106 = tpu.memref_slice %arg5[%add3A, %dma_start3A_105] : memref<32x16xi32, #tpu.memory_space<hbm>> -> memref<1x16xi32, #tpu.memory_space<hbm>>
      %dma_start3A_107 = tpu.memref_squeeze %dma_start3A_106 : memref<1x16xi32, #tpu.memory_space<hbm>> -> memref<16xi32, #tpu.memory_space<hbm>>
      tpu.enqueue_dma source(%arg11 : memref<16xi32, #tpu.memory_space<vmem>>) target(%dma_start3A_107 : memref<16xi32, #tpu.memory_space<hbm>>) target_semaphore(%run_scoped3A_102 : memref<!tpu.dma_semaphore, #tpu.memory_space<semaphore_mem>>)
      %dma_wait3A = arith.constant 0 : i32
      %dma_wait3A_108 = tpu.memref_slice %arg5[%add3A, %dma_wait3A] : memref<32x16xi32, #tpu.memory_space<hbm>> -> memref<1x16xi32, #tpu.memory_space<hbm>>
      %dma_wait3A_109 = tpu.memref_squeeze %dma_wait3A_108 : memref<1x16xi32, #tpu.memory_space<hbm>> -> memref<16xi32, #tpu.memory_space<hbm>>
      %dma_wait3A_110 = arith.constant 0 : i32
      %dma_wait3A_111 = tpu.memref_slice %arg5[%add3A, %dma_wait3A_110] : memref<32x16xi32, #tpu.memory_space<hbm>> -> memref<1x16xi32, #tpu.memory_space<hbm>>
      %dma_wait3A_112 = tpu.memref_squeeze %dma_wait3A_111 : memref<1x16xi32, #tpu.memory_space<hbm>> -> memref<16xi32, #tpu.memory_space<hbm>>
      tpu.wait_dma2 semaphore(%run_scoped3A_102 : memref<!tpu.dma_semaphore, #tpu.memory_space<semaphore_mem>>) src(%arg11 : memref<16xi32, #tpu.memory_space<vmem>>) dst(%dma_wait3A_112 : memref<16xi32, #tpu.memory_space<hbm>>)
      tpu.yield
    }) : () -> ()
    %gt3A = arith.constant 0 : i32
    %gt3A_64 = arith.cmpi sgt, %reduce_max3A_63, %gt3A : i32
    %convert_element_type3A_65 = arith.extui %gt3A_64 : i1 to i32
    %cond3A = arith.constant 0 : i32
    %cond3A_66 = arith.cmpi ne, %convert_element_type3A_65, %cond3A : i32
    scf.if %cond3A_66 {
      %dma_start3A = arith.constant 0 : i32
      %dma_start3A_102 = arith.constant 0 : i32
      %dma_start3A_103 = arith.constant 0 : i32
      %dma_start3A_104 = arith.constant 0 : i32
      %dma_start3A_105 = tpu.memref_slice %arg10[%dma_start3A_102, %dma_start3A_103, %dma_start3A_104] : memref<8x128x16xf32, #tpu.memory_space<vmem>> -> memref<1x128x16xf32, #tpu.memory_space<vmem>>
      %dma_start3A_106 = tpu.memref_squeeze %dma_start3A_105 : memref<1x128x16xf32, #tpu.memory_space<vmem>> -> memref<128x16xf32, #tpu.memory_space<vmem>>
      %dma_start3A_107 = arith.constant 0 : i32
      %dma_start3A_108 = tpu.memref_slice %arg9[%dma_start3A, %dma_start3A_107] : memref<8x128xi32, #tpu.memory_space<vmem>> -> memref<1x128xi32, #tpu.memory_space<vmem>>
      %dma_start3A_109 = tpu.memref_squeeze %dma_start3A_108 : memref<1x128xi32, #tpu.memory_space<vmem>> -> memref<128xi32, #tpu.memory_space<vmem>>
      %dma_start3A_110 = arith.constant 0 : i32
      %dma_start3A_111 = arith.constant 0 : i32
      %dma_start3A_112 = tpu.memref_slice %arg3[%dma_start3A_110, %dma_start3A_111] : memref<2056x16xf32, #tpu.memory_space<hbm>> -> memref<2056x16xf32, #tpu.memory_space<hbm>>
      tpu.enqueue_indirect_dma source(%dma_start3A_112 : memref<2056x16xf32, #tpu.memory_space<hbm>>) target(%dma_start3A_106 : memref<128x16xf32, #tpu.memory_space<vmem>>) offsets(%dma_start3A_109 : memref<128xi32, #tpu.memory_space<vmem>>) semaphore(%arg12 : memref<!tpu.dma_semaphore, #tpu.memory_space<semaphore_mem>>)
      %dma_wait3A = arith.constant 0 : i32
      %dma_wait3A_113 = arith.constant 0 : i32
      %dma_wait3A_114 = arith.constant 0 : i32
      %dma_wait3A_115 = arith.constant 0 : i32
      %dma_wait3A_116 = tpu.memref_slice %arg10[%dma_wait3A_113, %dma_wait3A_114, %dma_wait3A_115] : memref<8x128x16xf32, #tpu.memory_space<vmem>> -> memref<1x128x16xf32, #tpu.memory_space<vmem>>
      %dma_wait3A_117 = tpu.memref_squeeze %dma_wait3A_116 : memref<1x128x16xf32, #tpu.memory_space<vmem>> -> memref<128x16xf32, #tpu.memory_space<vmem>>
      %dma_wait3A_118 = arith.constant 0 : i32
      %dma_wait3A_119 = tpu.memref_slice %arg9[%dma_wait3A, %dma_wait3A_118] : memref<8x128xi32, #tpu.memory_space<vmem>> -> memref<1x128xi32, #tpu.memory_space<vmem>>
      %dma_wait3A_120 = tpu.memref_squeeze %dma_wait3A_119 : memref<1x128xi32, #tpu.memory_space<vmem>> -> memref<128xi32, #tpu.memory_space<vmem>>
      %dma_wait3A_121 = arith.constant 0 : i32
      %dma_wait3A_122 = arith.constant 0 : i32
      %dma_wait3A_123 = tpu.memref_slice %arg3[%dma_wait3A_121, %dma_wait3A_122] : memref<2056x16xf32, #tpu.memory_space<hbm>> -> memref<2056x16xf32, #tpu.memory_space<hbm>>
      tpu.wait_indirect_dma semaphore(%arg12 : memref<!tpu.dma_semaphore, #tpu.memory_space<semaphore_mem>>) src(%dma_wait3A_123 : memref<2056x16xf32, #tpu.memory_space<hbm>>) dst(%dma_wait3A_117 : memref<128x16xf32, #tpu.memory_space<vmem>>)
      %run_scoped3A_124 = arith.constant 0 : i32
      %run_scoped3A_125 = arith.constant 0 : i32
      "tpu.region"() ({
        %run_scoped3A_126 = tpu.sem_alloc : memref<!tpu.dma_semaphore, #tpu.memory_space<semaphore_mem>>
        %dma_start3A_127 = arith.constant 0 : i32
        %dma_start3A_128 = arith.constant 0 : i32
        %dma_start3A_129 = tpu.memref_slice %arg10[%run_scoped3A_124, %dma_start3A_127, %dma_start3A_128] : memref<8x128x16xf32, #tpu.memory_space<vmem>> -> memref<1x128x16xf32, #tpu.memory_space<vmem>>
        %dma_start3A_130 = tpu.memref_squeeze %dma_start3A_129 : memref<1x128x16xf32, #tpu.memory_space<vmem>> -> memref<128x16xf32, #tpu.memory_space<vmem>>
        %dma_start3A_131 = arith.constant 0 : i32
        %dma_start3A_132 = arith.constant 0 : i32
        %dma_start3A_133 = tpu.memref_slice %arg4[%add3A, %run_scoped3A_125, %dma_start3A_131, %dma_start3A_132] : memref<32x8x128x16xf32, #tpu.memory_space<hbm>> -> memref<1x1x128x16xf32, #tpu.memory_space<hbm>>
        %dma_start3A_134 = tpu.memref_squeeze %dma_start3A_133 : memref<1x1x128x16xf32, #tpu.memory_space<hbm>> -> memref<128x16xf32, #tpu.memory_space<hbm>>
        %dma_start3A_135 = arith.constant 0 : i32
        %dma_start3A_136 = arith.constant 0 : i32
        %dma_start3A_137 = tpu.memref_slice %arg4[%add3A, %run_scoped3A_125, %dma_start3A_135, %dma_start3A_136] : memref<32x8x128x16xf32, #tpu.memory_space<hbm>> -> memref<1x1x128x16xf32, #tpu.memory_space<hbm>>
        %dma_start3A_138 = tpu.memref_squeeze %dma_start3A_137 : memref<1x1x128x16xf32, #tpu.memory_space<hbm>> -> memref<128x16xf32, #tpu.memory_space<hbm>>
        %dma_start3A_139 = arith.constant 0 : i32
        %dma_start3A_140 = arith.constant 0 : i32
        %dma_start3A_141 = tpu.memref_slice %arg10[%run_scoped3A_124, %dma_start3A_139, %dma_start3A_140] : memref<8x128x16xf32, #tpu.memory_space<vmem>> -> memref<1x128x16xf32, #tpu.memory_space<vmem>>
        %dma_start3A_142 = tpu.memref_squeeze %dma_start3A_141 : memref<1x128x16xf32, #tpu.memory_space<vmem>> -> memref<128x16xf32, #tpu.memory_space<vmem>>
        tpu.enqueue_dma source(%dma_start3A_142 : memref<128x16xf32, #tpu.memory_space<vmem>>) target(%dma_start3A_138 : memref<128x16xf32, #tpu.memory_space<hbm>>) target_semaphore(%run_scoped3A_126 : memref<!tpu.dma_semaphore, #tpu.memory_space<semaphore_mem>>)
        %dma_wait3A_143 = arith.constant 0 : i32
        %dma_wait3A_144 = arith.constant 0 : i32
        %dma_wait3A_145 = tpu.memref_slice %arg10[%run_scoped3A_124, %dma_wait3A_143, %dma_wait3A_144] : memref<8x128x16xf32, #tpu.memory_space<vmem>> -> memref<1x128x16xf32, #tpu.memory_space<vmem>>
        %dma_wait3A_146 = tpu.memref_squeeze %dma_wait3A_145 : memref<1x128x16xf32, #tpu.memory_space<vmem>> -> memref<128x16xf32, #tpu.memory_space<vmem>>
        %dma_wait3A_147 = arith.constant 0 : i32
        %dma_wait3A_148 = arith.constant 0 : i32
        %dma_wait3A_149 = tpu.memref_slice %arg4[%add3A, %run_scoped3A_125, %dma_wait3A_147, %dma_wait3A_148] : memref<32x8x128x16xf32, #tpu.memory_space<hbm>> -> memref<1x1x128x16xf32, #tpu.memory_space<hbm>>
        %dma_wait3A_150 = tpu.memref_squeeze %dma_wait3A_149 : memref<1x1x128x16xf32, #tpu.memory_space<hbm>> -> memref<128x16xf32, #tpu.memory_space<hbm>>
        %dma_wait3A_151 = arith.constant 0 : i32
        %dma_wait3A_152 = arith.constant 0 : i32
        %dma_wait3A_153 = tpu.memref_slice %arg4[%add3A, %run_scoped3A_125, %dma_wait3A_151, %dma_wait3A_152] : memref<32x8x128x16xf32, #tpu.memory_space<hbm>> -> memref<1x1x128x16xf32, #tpu.memory_space<hbm>>
        %dma_wait3A_154 = tpu.memref_squeeze %dma_wait3A_153 : memref<1x1x128x16xf32, #tpu.memory_space<hbm>> -> memref<128x16xf32, #tpu.memory_space<hbm>>
        %dma_wait3A_155 = arith.constant 0 : i32
        %dma_wait3A_156 = arith.constant 0 : i32
        %dma_wait3A_157 = tpu.memref_slice %arg10[%run_scoped3A_124, %dma_wait3A_155, %dma_wait3A_156] : memref<8x128x16xf32, #tpu.memory_space<vmem>> -> memref<1x128x16xf32, #tpu.memory_space<vmem>>
        %dma_wait3A_158 = tpu.memref_squeeze %dma_wait3A_157 : memref<1x128x16xf32, #tpu.memory_space<vmem>> -> memref<128x16xf32, #tpu.memory_space<vmem>>
        tpu.wait_dma2 semaphore(%run_scoped3A_126 : memref<!tpu.dma_semaphore, #tpu.memory_space<semaphore_mem>>) src(%dma_wait3A_158 : memref<128x16xf32, #tpu.memory_space<vmem>>) dst(%dma_wait3A_154 : memref<128x16xf32, #tpu.memory_space<hbm>>)
        tpu.yield
      }) : () -> ()
    } else {
    }
    %gt3A_67 = arith.constant 128 : i32
    %gt3A_68 = arith.cmpi sgt, %reduce_max3A_63, %gt3A_67 : i32
    %convert_element_type3A_69 = arith.extui %gt3A_68 : i1 to i32
    %cond3A_70 = arith.constant 0 : i32
    %cond3A_71 = arith.cmpi ne, %convert_element_type3A_69, %cond3A_70 : i32
    scf.if %cond3A_71 {
      %dma_start3A = arith.constant 1 : i32
      %dma_start3A_102 = arith.constant 1 : i32
      %dma_start3A_103 = arith.constant 0 : i32
      %dma_start3A_104 = arith.constant 0 : i32
      %dma_start3A_105 = tpu.memref_slice %arg10[%dma_start3A_102, %dma_start3A_103, %dma_start3A_104] : memref<8x128x16xf32, #tpu.memory_space<vmem>> -> memref<1x128x16xf32, #tpu.memory_space<vmem>>
      %dma_start3A_106 = tpu.memref_squeeze %dma_start3A_105 : memref<1x128x16xf32, #tpu.memory_space<vmem>> -> memref<128x16xf32, #tpu.memory_space<vmem>>
      %dma_start3A_107 = arith.constant 0 : i32
      %dma_start3A_108 = tpu.memref_slice %arg9[%dma_start3A, %dma_start3A_107] : memref<8x128xi32, #tpu.memory_space<vmem>> -> memref<1x128xi32, #tpu.memory_space<vmem>>
      %dma_start3A_109 = tpu.memref_squeeze %dma_start3A_108 : memref<1x128xi32, #tpu.memory_space<vmem>> -> memref<128xi32, #tpu.memory_space<vmem>>
      %dma_start3A_110 = arith.constant 0 : i32
      %dma_start3A_111 = arith.constant 0 : i32
      %dma_start3A_112 = tpu.memref_slice %arg3[%dma_start3A_110, %dma_start3A_111] : memref<2056x16xf32, #tpu.memory_space<hbm>> -> memref<2056x16xf32, #tpu.memory_space<hbm>>
      tpu.enqueue_indirect_dma source(%dma_start3A_112 : memref<2056x16xf32, #tpu.memory_space<hbm>>) target(%dma_start3A_106 : memref<128x16xf32, #tpu.memory_space<vmem>>) offsets(%dma_start3A_109 : memref<128xi32, #tpu.memory_space<vmem>>) semaphore(%arg12 : memref<!tpu.dma_semaphore, #tpu.memory_space<semaphore_mem>>)
      %dma_wait3A = arith.constant 1 : i32
      %dma_wait3A_113 = arith.constant 1 : i32
      %dma_wait3A_114 = arith.constant 0 : i32
      %dma_wait3A_115 = arith.constant 0 : i32
      %dma_wait3A_116 = tpu.memref_slice %arg10[%dma_wait3A_113, %dma_wait3A_114, %dma_wait3A_115] : memref<8x128x16xf32, #tpu.memory_space<vmem>> -> memref<1x128x16xf32, #tpu.memory_space<vmem>>
      %dma_wait3A_117 = tpu.memref_squeeze %dma_wait3A_116 : memref<1x128x16xf32, #tpu.memory_space<vmem>> -> memref<128x16xf32, #tpu.memory_space<vmem>>
      %dma_wait3A_118 = arith.constant 0 : i32
      %dma_wait3A_119 = tpu.memref_slice %arg9[%dma_wait3A, %dma_wait3A_118] : memref<8x128xi32, #tpu.memory_space<vmem>> -> memref<1x128xi32, #tpu.memory_space<vmem>>
      %dma_wait3A_120 = tpu.memref_squeeze %dma_wait3A_119 : memref<1x128xi32, #tpu.memory_space<vmem>> -> memref<128xi32, #tpu.memory_space<vmem>>
      %dma_wait3A_121 = arith.constant 0 : i32
      %dma_wait3A_122 = arith.constant 0 : i32
      %dma_wait3A_123 = tpu.memref_slice %arg3[%dma_wait3A_121, %dma_wait3A_122] : memref<2056x16xf32, #tpu.memory_space<hbm>> -> memref<2056x16xf32, #tpu.memory_space<hbm>>
      tpu.wait_indirect_dma semaphore(%arg12 : memref<!tpu.dma_semaphore, #tpu.memory_space<semaphore_mem>>) src(%dma_wait3A_123 : memref<2056x16xf32, #tpu.memory_space<hbm>>) dst(%dma_wait3A_117 : memref<128x16xf32, #tpu.memory_space<vmem>>)
      %run_scoped3A_124 = arith.constant 1 : i32
      %run_scoped3A_125 = arith.constant 1 : i32
      "tpu.region"() ({
        %run_scoped3A_126 = tpu.sem_alloc : memref<!tpu.dma_semaphore, #tpu.memory_space<semaphore_mem>>
        %dma_start3A_127 = arith.constant 0 : i32
        %dma_start3A_128 = arith.constant 0 : i32
        %dma_start3A_129 = tpu.memref_slice %arg10[%run_scoped3A_124, %dma_start3A_127, %dma_start3A_128] : memref<8x128x16xf32, #tpu.memory_space<vmem>> -> memref<1x128x16xf32, #tpu.memory_space<vmem>>
        %dma_start3A_130 = tpu.memref_squeeze %dma_start3A_129 : memref<1x128x16xf32, #tpu.memory_space<vmem>> -> memref<128x16xf32, #tpu.memory_space<vmem>>
        %dma_start3A_131 = arith.constant 0 : i32
        %dma_start3A_132 = arith.constant 0 : i32
        %dma_start3A_133 = tpu.memref_slice %arg4[%add3A, %run_scoped3A_125, %dma_start3A_131, %dma_start3A_132] : memref<32x8x128x16xf32, #tpu.memory_space<hbm>> -> memref<1x1x128x16xf32, #tpu.memory_space<hbm>>
        %dma_start3A_134 = tpu.memref_squeeze %dma_start3A_133 : memref<1x1x128x16xf32, #tpu.memory_space<hbm>> -> memref<128x16xf32, #tpu.memory_space<hbm>>
        %dma_start3A_135 = arith.constant 0 : i32
        %dma_start3A_136 = arith.constant 0 : i32
        %dma_start3A_137 = tpu.memref_slice %arg4[%add3A, %run_scoped3A_125, %dma_start3A_135, %dma_start3A_136] : memref<32x8x128x16xf32, #tpu.memory_space<hbm>> -> memref<1x1x128x16xf32, #tpu.memory_space<hbm>>
        %dma_start3A_138 = tpu.memref_squeeze %dma_start3A_137 : memref<1x1x128x16xf32, #tpu.memory_space<hbm>> -> memref<128x16xf32, #tpu.memory_space<hbm>>
        %dma_start3A_139 = arith.constant 0 : i32
        %dma_start3A_140 = arith.constant 0 : i32
        %dma_start3A_141 = tpu.memref_slice %arg10[%run_scoped3A_124, %dma_start3A_139, %dma_start3A_140] : memref<8x128x16xf32, #tpu.memory_space<vmem>> -> memref<1x128x16xf32, #tpu.memory_space<vmem>>
        %dma_start3A_142 = tpu.memref_squeeze %dma_start3A_141 : memref<1x128x16xf32, #tpu.memory_space<vmem>> -> memref<128x16xf32, #tpu.memory_space<vmem>>
        tpu.enqueue_dma source(%dma_start3A_142 : memref<128x16xf32, #tpu.memory_space<vmem>>) target(%dma_start3A_138 : memref<128x16xf32, #tpu.memory_space<hbm>>) target_semaphore(%run_scoped3A_126 : memref<!tpu.dma_semaphore, #tpu.memory_space<semaphore_mem>>)
        %dma_wait3A_143 = arith.constant 0 : i32
        %dma_wait3A_144 = arith.constant 0 : i32
        %dma_wait3A_145 = tpu.memref_slice %arg10[%run_scoped3A_124, %dma_wait3A_143, %dma_wait3A_144] : memref<8x128x16xf32, #tpu.memory_space<vmem>> -> memref<1x128x16xf32, #tpu.memory_space<vmem>>
        %dma_wait3A_146 = tpu.memref_squeeze %dma_wait3A_145 : memref<1x128x16xf32, #tpu.memory_space<vmem>> -> memref<128x16xf32, #tpu.memory_space<vmem>>
        %dma_wait3A_147 = arith.constant 0 : i32
        %dma_wait3A_148 = arith.constant 0 : i32
        %dma_wait3A_149 = tpu.memref_slice %arg4[%add3A, %run_scoped3A_125, %dma_wait3A_147, %dma_wait3A_148] : memref<32x8x128x16xf32, #tpu.memory_space<hbm>> -> memref<1x1x128x16xf32, #tpu.memory_space<hbm>>
        %dma_wait3A_150 = tpu.memref_squeeze %dma_wait3A_149 : memref<1x1x128x16xf32, #tpu.memory_space<hbm>> -> memref<128x16xf32, #tpu.memory_space<hbm>>
        %dma_wait3A_151 = arith.constant 0 : i32
        %dma_wait3A_152 = arith.constant 0 : i32
        %dma_wait3A_153 = tpu.memref_slice %arg4[%add3A, %run_scoped3A_125, %dma_wait3A_151, %dma_wait3A_152] : memref<32x8x128x16xf32, #tpu.memory_space<hbm>> -> memref<1x1x128x16xf32, #tpu.memory_space<hbm>>
        %dma_wait3A_154 = tpu.memref_squeeze %dma_wait3A_153 : memref<1x1x128x16xf32, #tpu.memory_space<hbm>> -> memref<128x16xf32, #tpu.memory_space<hbm>>
        %dma_wait3A_155 = arith.constant 0 : i32
        %dma_wait3A_156 = arith.constant 0 : i32
        %dma_wait3A_157 = tpu.memref_slice %arg10[%run_scoped3A_124, %dma_wait3A_155, %dma_wait3A_156] : memref<8x128x16xf32, #tpu.memory_space<vmem>> -> memref<1x128x16xf32, #tpu.memory_space<vmem>>
        %dma_wait3A_158 = tpu.memref_squeeze %dma_wait3A_157 : memref<1x128x16xf32, #tpu.memory_space<vmem>> -> memref<128x16xf32, #tpu.memory_space<vmem>>
        tpu.wait_dma2 semaphore(%run_scoped3A_126 : memref<!tpu.dma_semaphore, #tpu.memory_space<semaphore_mem>>) src(%dma_wait3A_158 : memref<128x16xf32, #tpu.memory_space<vmem>>) dst(%dma_wait3A_154 : memref<128x16xf32, #tpu.memory_space<hbm>>)
        tpu.yield
      }) : () -> ()
    } else {
    }
    %gt3A_72 = arith.constant 256 : i32
    %gt3A_73 = arith.cmpi sgt, %reduce_max3A_63, %gt3A_72 : i32
    %convert_element_type3A_74 = arith.extui %gt3A_73 : i1 to i32
    %cond3A_75 = arith.constant 0 : i32
    %cond3A_76 = arith.cmpi ne, %convert_element_type3A_74, %cond3A_75 : i32
    scf.if %cond3A_76 {
      %dma_start3A = arith.constant 2 : i32
      %dma_start3A_102 = arith.constant 2 : i32
      %dma_start3A_103 = arith.constant 0 : i32
      %dma_start3A_104 = arith.constant 0 : i32
      %dma_start3A_105 = tpu.memref_slice %arg10[%dma_start3A_102, %dma_start3A_103, %dma_start3A_104] : memref<8x128x16xf32, #tpu.memory_space<vmem>> -> memref<1x128x16xf32, #tpu.memory_space<vmem>>
      %dma_start3A_106 = tpu.memref_squeeze %dma_start3A_105 : memref<1x128x16xf32, #tpu.memory_space<vmem>> -> memref<128x16xf32, #tpu.memory_space<vmem>>
      %dma_start3A_107 = arith.constant 0 : i32
      %dma_start3A_108 = tpu.memref_slice %arg9[%dma_start3A, %dma_start3A_107] : memref<8x128xi32, #tpu.memory_space<vmem>> -> memref<1x128xi32, #tpu.memory_space<vmem>>
      %dma_start3A_109 = tpu.memref_squeeze %dma_start3A_108 : memref<1x128xi32, #tpu.memory_space<vmem>> -> memref<128xi32, #tpu.memory_space<vmem>>
      %dma_start3A_110 = arith.constant 0 : i32
      %dma_start3A_111 = arith.constant 0 : i32
      %dma_start3A_112 = tpu.memref_slice %arg3[%dma_start3A_110, %dma_start3A_111] : memref<2056x16xf32, #tpu.memory_space<hbm>> -> memref<2056x16xf32, #tpu.memory_space<hbm>>
      tpu.enqueue_indirect_dma source(%dma_start3A_112 : memref<2056x16xf32, #tpu.memory_space<hbm>>) target(%dma_start3A_106 : memref<128x16xf32, #tpu.memory_space<vmem>>) offsets(%dma_start3A_109 : memref<128xi32, #tpu.memory_space<vmem>>) semaphore(%arg12 : memref<!tpu.dma_semaphore, #tpu.memory_space<semaphore_mem>>)
      %dma_wait3A = arith.constant 2 : i32
      %dma_wait3A_113 = arith.constant 2 : i32
      %dma_wait3A_114 = arith.constant 0 : i32
      %dma_wait3A_115 = arith.constant 0 : i32
      %dma_wait3A_116 = tpu.memref_slice %arg10[%dma_wait3A_113, %dma_wait3A_114, %dma_wait3A_115] : memref<8x128x16xf32, #tpu.memory_space<vmem>> -> memref<1x128x16xf32, #tpu.memory_space<vmem>>
      %dma_wait3A_117 = tpu.memref_squeeze %dma_wait3A_116 : memref<1x128x16xf32, #tpu.memory_space<vmem>> -> memref<128x16xf32, #tpu.memory_space<vmem>>
      %dma_wait3A_118 = arith.constant 0 : i32
      %dma_wait3A_119 = tpu.memref_slice %arg9[%dma_wait3A, %dma_wait3A_118] : memref<8x128xi32, #tpu.memory_space<vmem>> -> memref<1x128xi32, #tpu.memory_space<vmem>>
      %dma_wait3A_120 = tpu.memref_squeeze %dma_wait3A_119 : memref<1x128xi32, #tpu.memory_space<vmem>> -> memref<128xi32, #tpu.memory_space<vmem>>
      %dma_wait3A_121 = arith.constant 0 : i32
      %dma_wait3A_122 = arith.constant 0 : i32
      %dma_wait3A_123 = tpu.memref_slice %arg3[%dma_wait3A_121, %dma_wait3A_122] : memref<2056x16xf32, #tpu.memory_space<hbm>> -> memref<2056x16xf32, #tpu.memory_space<hbm>>
      tpu.wait_indirect_dma semaphore(%arg12 : memref<!tpu.dma_semaphore, #tpu.memory_space<semaphore_mem>>) src(%dma_wait3A_123 : memref<2056x16xf32, #tpu.memory_space<hbm>>) dst(%dma_wait3A_117 : memref<128x16xf32, #tpu.memory_space<vmem>>)
      %run_scoped3A_124 = arith.constant 2 : i32
      %run_scoped3A_125 = arith.constant 2 : i32
      "tpu.region"() ({
        %run_scoped3A_126 = tpu.sem_alloc : memref<!tpu.dma_semaphore, #tpu.memory_space<semaphore_mem>>
        %dma_start3A_127 = arith.constant 0 : i32
        %dma_start3A_128 = arith.constant 0 : i32
        %dma_start3A_129 = tpu.memref_slice %arg10[%run_scoped3A_124, %dma_start3A_127, %dma_start3A_128] : memref<8x128x16xf32, #tpu.memory_space<vmem>> -> memref<1x128x16xf32, #tpu.memory_space<vmem>>
        %dma_start3A_130 = tpu.memref_squeeze %dma_start3A_129 : memref<1x128x16xf32, #tpu.memory_space<vmem>> -> memref<128x16xf32, #tpu.memory_space<vmem>>
        %dma_start3A_131 = arith.constant 0 : i32
        %dma_start3A_132 = arith.constant 0 : i32
        %dma_start3A_133 = tpu.memref_slice %arg4[%add3A, %run_scoped3A_125, %dma_start3A_131, %dma_start3A_132] : memref<32x8x128x16xf32, #tpu.memory_space<hbm>> -> memref<1x1x128x16xf32, #tpu.memory_space<hbm>>
        %dma_start3A_134 = tpu.memref_squeeze %dma_start3A_133 : memref<1x1x128x16xf32, #tpu.memory_space<hbm>> -> memref<128x16xf32, #tpu.memory_space<hbm>>
        %dma_start3A_135 = arith.constant 0 : i32
        %dma_start3A_136 = arith.constant 0 : i32
        %dma_start3A_137 = tpu.memref_slice %arg4[%add3A, %run_scoped3A_125, %dma_start3A_135, %dma_start3A_136] : memref<32x8x128x16xf32, #tpu.memory_space<hbm>> -> memref<1x1x128x16xf32, #tpu.memory_space<hbm>>
        %dma_start3A_138 = tpu.memref_squeeze %dma_start3A_137 : memref<1x1x128x16xf32, #tpu.memory_space<hbm>> -> memref<128x16xf32, #tpu.memory_space<hbm>>
        %dma_start3A_139 = arith.constant 0 : i32
        %dma_start3A_140 = arith.constant 0 : i32
        %dma_start3A_141 = tpu.memref_slice %arg10[%run_scoped3A_124, %dma_start3A_139, %dma_start3A_140] : memref<8x128x16xf32, #tpu.memory_space<vmem>> -> memref<1x128x16xf32, #tpu.memory_space<vmem>>
        %dma_start3A_142 = tpu.memref_squeeze %dma_start3A_141 : memref<1x128x16xf32, #tpu.memory_space<vmem>> -> memref<128x16xf32, #tpu.memory_space<vmem>>
        tpu.enqueue_dma source(%dma_start3A_142 : memref<128x16xf32, #tpu.memory_space<vmem>>) target(%dma_start3A_138 : memref<128x16xf32, #tpu.memory_space<hbm>>) target_semaphore(%run_scoped3A_126 : memref<!tpu.dma_semaphore, #tpu.memory_space<semaphore_mem>>)
        %dma_wait3A_143 = arith.constant 0 : i32
        %dma_wait3A_144 = arith.constant 0 : i32
        %dma_wait3A_145 = tpu.memref_slice %arg10[%run_scoped3A_124, %dma_wait3A_143, %dma_wait3A_144] : memref<8x128x16xf32, #tpu.memory_space<vmem>> -> memref<1x128x16xf32, #tpu.memory_space<vmem>>
        %dma_wait3A_146 = tpu.memref_squeeze %dma_wait3A_145 : memref<1x128x16xf32, #tpu.memory_space<vmem>> -> memref<128x16xf32, #tpu.memory_space<vmem>>
        %dma_wait3A_147 = arith.constant 0 : i32
        %dma_wait3A_148 = arith.constant 0 : i32
        %dma_wait3A_149 = tpu.memref_slice %arg4[%add3A, %run_scoped3A_125, %dma_wait3A_147, %dma_wait3A_148] : memref<32x8x128x16xf32, #tpu.memory_space<hbm>> -> memref<1x1x128x16xf32, #tpu.memory_space<hbm>>
        %dma_wait3A_150 = tpu.memref_squeeze %dma_wait3A_149 : memref<1x1x128x16xf32, #tpu.memory_space<hbm>> -> memref<128x16xf32, #tpu.memory_space<hbm>>
        %dma_wait3A_151 = arith.constant 0 : i32
        %dma_wait3A_152 = arith.constant 0 : i32
        %dma_wait3A_153 = tpu.memref_slice %arg4[%add3A, %run_scoped3A_125, %dma_wait3A_151, %dma_wait3A_152] : memref<32x8x128x16xf32, #tpu.memory_space<hbm>> -> memref<1x1x128x16xf32, #tpu.memory_space<hbm>>
        %dma_wait3A_154 = tpu.memref_squeeze %dma_wait3A_153 : memref<1x1x128x16xf32, #tpu.memory_space<hbm>> -> memref<128x16xf32, #tpu.memory_space<hbm>>
        %dma_wait3A_155 = arith.constant 0 : i32
        %dma_wait3A_156 = arith.constant 0 : i32
        %dma_wait3A_157 = tpu.memref_slice %arg10[%run_scoped3A_124, %dma_wait3A_155, %dma_wait3A_156] : memref<8x128x16xf32, #tpu.memory_space<vmem>> -> memref<1x128x16xf32, #tpu.memory_space<vmem>>
        %dma_wait3A_158 = tpu.memref_squeeze %dma_wait3A_157 : memref<1x128x16xf32, #tpu.memory_space<vmem>> -> memref<128x16xf32, #tpu.memory_space<vmem>>
        tpu.wait_dma2 semaphore(%run_scoped3A_126 : memref<!tpu.dma_semaphore, #tpu.memory_space<semaphore_mem>>) src(%dma_wait3A_158 : memref<128x16xf32, #tpu.memory_space<vmem>>) dst(%dma_wait3A_154 : memref<128x16xf32, #tpu.memory_space<hbm>>)
        tpu.yield
      }) : () -> ()
    } else {
    }
    %gt3A_77 = arith.constant 384 : i32
    %gt3A_78 = arith.cmpi sgt, %reduce_max3A_63, %gt3A_77 : i32
    %convert_element_type3A_79 = arith.extui %gt3A_78 : i1 to i32
    %cond3A_80 = arith.constant 0 : i32
    %cond3A_81 = arith.cmpi ne, %convert_element_type3A_79, %cond3A_80 : i32
    scf.if %cond3A_81 {
      %dma_start3A = arith.constant 3 : i32
      %dma_start3A_102 = arith.constant 3 : i32
      %dma_start3A_103 = arith.constant 0 : i32
      %dma_start3A_104 = arith.constant 0 : i32
      %dma_start3A_105 = tpu.memref_slice %arg10[%dma_start3A_102, %dma_start3A_103, %dma_start3A_104] : memref<8x128x16xf32, #tpu.memory_space<vmem>> -> memref<1x128x16xf32, #tpu.memory_space<vmem>>
      %dma_start3A_106 = tpu.memref_squeeze %dma_start3A_105 : memref<1x128x16xf32, #tpu.memory_space<vmem>> -> memref<128x16xf32, #tpu.memory_space<vmem>>
      %dma_start3A_107 = arith.constant 0 : i32
      %dma_start3A_108 = tpu.memref_slice %arg9[%dma_start3A, %dma_start3A_107] : memref<8x128xi32, #tpu.memory_space<vmem>> -> memref<1x128xi32, #tpu.memory_space<vmem>>
      %dma_start3A_109 = tpu.memref_squeeze %dma_start3A_108 : memref<1x128xi32, #tpu.memory_space<vmem>> -> memref<128xi32, #tpu.memory_space<vmem>>
      %dma_start3A_110 = arith.constant 0 : i32
      %dma_start3A_111 = arith.constant 0 : i32
      %dma_start3A_112 = tpu.memref_slice %arg3[%dma_start3A_110, %dma_start3A_111] : memref<2056x16xf32, #tpu.memory_space<hbm>> -> memref<2056x16xf32, #tpu.memory_space<hbm>>
      tpu.enqueue_indirect_dma source(%dma_start3A_112 : memref<2056x16xf32, #tpu.memory_space<hbm>>) target(%dma_start3A_106 : memref<128x16xf32, #tpu.memory_space<vmem>>) offsets(%dma_start3A_109 : memref<128xi32, #tpu.memory_space<vmem>>) semaphore(%arg12 : memref<!tpu.dma_semaphore, #tpu.memory_space<semaphore_mem>>)
      %dma_wait3A = arith.constant 3 : i32
      %dma_wait3A_113 = arith.constant 3 : i32
      %dma_wait3A_114 = arith.constant 0 : i32
      %dma_wait3A_115 = arith.constant 0 : i32
      %dma_wait3A_116 = tpu.memref_slice %arg10[%dma_wait3A_113, %dma_wait3A_114, %dma_wait3A_115] : memref<8x128x16xf32, #tpu.memory_space<vmem>> -> memref<1x128x16xf32, #tpu.memory_space<vmem>>
      %dma_wait3A_117 = tpu.memref_squeeze %dma_wait3A_116 : memref<1x128x16xf32, #tpu.memory_space<vmem>> -> memref<128x16xf32, #tpu.memory_space<vmem>>
      %dma_wait3A_118 = arith.constant 0 : i32
      %dma_wait3A_119 = tpu.memref_slice %arg9[%dma_wait3A, %dma_wait3A_118] : memref<8x128xi32, #tpu.memory_space<vmem>> -> memref<1x128xi32, #tpu.memory_space<vmem>>
      %dma_wait3A_120 = tpu.memref_squeeze %dma_wait3A_119 : memref<1x128xi32, #tpu.memory_space<vmem>> -> memref<128xi32, #tpu.memory_space<vmem>>
      %dma_wait3A_121 = arith.constant 0 : i32
      %dma_wait3A_122 = arith.constant 0 : i32
      %dma_wait3A_123 = tpu.memref_slice %arg3[%dma_wait3A_121, %dma_wait3A_122] : memref<2056x16xf32, #tpu.memory_space<hbm>> -> memref<2056x16xf32, #tpu.memory_space<hbm>>
      tpu.wait_indirect_dma semaphore(%arg12 : memref<!tpu.dma_semaphore, #tpu.memory_space<semaphore_mem>>) src(%dma_wait3A_123 : memref<2056x16xf32, #tpu.memory_space<hbm>>) dst(%dma_wait3A_117 : memref<128x16xf32, #tpu.memory_space<vmem>>)
      %run_scoped3A_124 = arith.constant 3 : i32
      %run_scoped3A_125 = arith.constant 3 : i32
      "tpu.region"() ({
        %run_scoped3A_126 = tpu.sem_alloc : memref<!tpu.dma_semaphore, #tpu.memory_space<semaphore_mem>>
        %dma_start3A_127 = arith.constant 0 : i32
        %dma_start3A_128 = arith.constant 0 : i32
        %dma_start3A_129 = tpu.memref_slice %arg10[%run_scoped3A_124, %dma_start3A_127, %dma_start3A_128] : memref<8x128x16xf32, #tpu.memory_space<vmem>> -> memref<1x128x16xf32, #tpu.memory_space<vmem>>
        %dma_start3A_130 = tpu.memref_squeeze %dma_start3A_129 : memref<1x128x16xf32, #tpu.memory_space<vmem>> -> memref<128x16xf32, #tpu.memory_space<vmem>>
        %dma_start3A_131 = arith.constant 0 : i32
        %dma_start3A_132 = arith.constant 0 : i32
        %dma_start3A_133 = tpu.memref_slice %arg4[%add3A, %run_scoped3A_125, %dma_start3A_131, %dma_start3A_132] : memref<32x8x128x16xf32, #tpu.memory_space<hbm>> -> memref<1x1x128x16xf32, #tpu.memory_space<hbm>>
        %dma_start3A_134 = tpu.memref_squeeze %dma_start3A_133 : memref<1x1x128x16xf32, #tpu.memory_space<hbm>> -> memref<128x16xf32, #tpu.memory_space<hbm>>
        %dma_start3A_135 = arith.constant 0 : i32
        %dma_start3A_136 = arith.constant 0 : i32
        %dma_start3A_137 = tpu.memref_slice %arg4[%add3A, %run_scoped3A_125, %dma_start3A_135, %dma_start3A_136] : memref<32x8x128x16xf32, #tpu.memory_space<hbm>> -> memref<1x1x128x16xf32, #tpu.memory_space<hbm>>
        %dma_start3A_138 = tpu.memref_squeeze %dma_start3A_137 : memref<1x1x128x16xf32, #tpu.memory_space<hbm>> -> memref<128x16xf32, #tpu.memory_space<hbm>>
        %dma_start3A_139 = arith.constant 0 : i32
        %dma_start3A_140 = arith.constant 0 : i32
        %dma_start3A_141 = tpu.memref_slice %arg10[%run_scoped3A_124, %dma_start3A_139, %dma_start3A_140] : memref<8x128x16xf32, #tpu.memory_space<vmem>> -> memref<1x128x16xf32, #tpu.memory_space<vmem>>
        %dma_start3A_142 = tpu.memref_squeeze %dma_start3A_141 : memref<1x128x16xf32, #tpu.memory_space<vmem>> -> memref<128x16xf32, #tpu.memory_space<vmem>>
        tpu.enqueue_dma source(%dma_start3A_142 : memref<128x16xf32, #tpu.memory_space<vmem>>) target(%dma_start3A_138 : memref<128x16xf32, #tpu.memory_space<hbm>>) target_semaphore(%run_scoped3A_126 : memref<!tpu.dma_semaphore, #tpu.memory_space<semaphore_mem>>)
        %dma_wait3A_143 = arith.constant 0 : i32
        %dma_wait3A_144 = arith.constant 0 : i32
        %dma_wait3A_145 = tpu.memref_slice %arg10[%run_scoped3A_124, %dma_wait3A_143, %dma_wait3A_144] : memref<8x128x16xf32, #tpu.memory_space<vmem>> -> memref<1x128x16xf32, #tpu.memory_space<vmem>>
        %dma_wait3A_146 = tpu.memref_squeeze %dma_wait3A_145 : memref<1x128x16xf32, #tpu.memory_space<vmem>> -> memref<128x16xf32, #tpu.memory_space<vmem>>
        %dma_wait3A_147 = arith.constant 0 : i32
        %dma_wait3A_148 = arith.constant 0 : i32
        %dma_wait3A_149 = tpu.memref_slice %arg4[%add3A, %run_scoped3A_125, %dma_wait3A_147, %dma_wait3A_148] : memref<32x8x128x16xf32, #tpu.memory_space<hbm>> -> memref<1x1x128x16xf32, #tpu.memory_space<hbm>>
        %dma_wait3A_150 = tpu.memref_squeeze %dma_wait3A_149 : memref<1x1x128x16xf32, #tpu.memory_space<hbm>> -> memref<128x16xf32, #tpu.memory_space<hbm>>
        %dma_wait3A_151 = arith.constant 0 : i32
        %dma_wait3A_152 = arith.constant 0 : i32
        %dma_wait3A_153 = tpu.memref_slice %arg4[%add3A, %run_scoped3A_125, %dma_wait3A_151, %dma_wait3A_152] : memref<32x8x128x16xf32, #tpu.memory_space<hbm>> -> memref<1x1x128x16xf32, #tpu.memory_space<hbm>>
        %dma_wait3A_154 = tpu.memref_squeeze %dma_wait3A_153 : memref<1x1x128x16xf32, #tpu.memory_space<hbm>> -> memref<128x16xf32, #tpu.memory_space<hbm>>
        %dma_wait3A_155 = arith.constant 0 : i32
        %dma_wait3A_156 = arith.constant 0 : i32
        %dma_wait3A_157 = tpu.memref_slice %arg10[%run_scoped3A_124, %dma_wait3A_155, %dma_wait3A_156] : memref<8x128x16xf32, #tpu.memory_space<vmem>> -> memref<1x128x16xf32, #tpu.memory_space<vmem>>
        %dma_wait3A_158 = tpu.memref_squeeze %dma_wait3A_157 : memref<1x128x16xf32, #tpu.memory_space<vmem>> -> memref<128x16xf32, #tpu.memory_space<vmem>>
        tpu.wait_dma2 semaphore(%run_scoped3A_126 : memref<!tpu.dma_semaphore, #tpu.memory_space<semaphore_mem>>) src(%dma_wait3A_158 : memref<128x16xf32, #tpu.memory_space<vmem>>) dst(%dma_wait3A_154 : memref<128x16xf32, #tpu.memory_space<hbm>>)
        tpu.yield
      }) : () -> ()
    } else {
    }
    %gt3A_82 = arith.constant 512 : i32
    %gt3A_83 = arith.cmpi sgt, %reduce_max3A_63, %gt3A_82 : i32
    %convert_element_type3A_84 = arith.extui %gt3A_83 : i1 to i32
    %cond3A_85 = arith.constant 0 : i32
    %cond3A_86 = arith.cmpi ne, %convert_element_type3A_84, %cond3A_85 : i32
    scf.if %cond3A_86 {
      %dma_start3A = arith.constant 4 : i32
      %dma_start3A_102 = arith.constant 4 : i32
      %dma_start3A_103 = arith.constant 0 : i32
      %dma_start3A_104 = arith.constant 0 : i32
      %dma_start3A_105 = tpu.memref_slice %arg10[%dma_start3A_102, %dma_start3A_103, %dma_start3A_104] : memref<8x128x16xf32, #tpu.memory_space<vmem>> -> memref<1x128x16xf32, #tpu.memory_space<vmem>>
      %dma_start3A_106 = tpu.memref_squeeze %dma_start3A_105 : memref<1x128x16xf32, #tpu.memory_space<vmem>> -> memref<128x16xf32, #tpu.memory_space<vmem>>
      %dma_start3A_107 = arith.constant 0 : i32
      %dma_start3A_108 = tpu.memref_slice %arg9[%dma_start3A, %dma_start3A_107] : memref<8x128xi32, #tpu.memory_space<vmem>> -> memref<1x128xi32, #tpu.memory_space<vmem>>
      %dma_start3A_109 = tpu.memref_squeeze %dma_start3A_108 : memref<1x128xi32, #tpu.memory_space<vmem>> -> memref<128xi32, #tpu.memory_space<vmem>>
      %dma_start3A_110 = arith.constant 0 : i32
      %dma_start3A_111 = arith.constant 0 : i32
      %dma_start3A_112 = tpu.memref_slice %arg3[%dma_start3A_110, %dma_start3A_111] : memref<2056x16xf32, #tpu.memory_space<hbm>> -> memref<2056x16xf32, #tpu.memory_space<hbm>>
      tpu.enqueue_indirect_dma source(%dma_start3A_112 : memref<2056x16xf32, #tpu.memory_space<hbm>>) target(%dma_start3A_106 : memref<128x16xf32, #tpu.memory_space<vmem>>) offsets(%dma_start3A_109 : memref<128xi32, #tpu.memory_space<vmem>>) semaphore(%arg12 : memref<!tpu.dma_semaphore, #tpu.memory_space<semaphore_mem>>)
      %dma_wait3A = arith.constant 4 : i32
      %dma_wait3A_113 = arith.constant 4 : i32
      %dma_wait3A_114 = arith.constant 0 : i32
      %dma_wait3A_115 = arith.constant 0 : i32
      %dma_wait3A_116 = tpu.memref_slice %arg10[%dma_wait3A_113, %dma_wait3A_114, %dma_wait3A_115] : memref<8x128x16xf32, #tpu.memory_space<vmem>> -> memref<1x128x16xf32, #tpu.memory_space<vmem>>
      %dma_wait3A_117 = tpu.memref_squeeze %dma_wait3A_116 : memref<1x128x16xf32, #tpu.memory_space<vmem>> -> memref<128x16xf32, #tpu.memory_space<vmem>>
      %dma_wait3A_118 = arith.constant 0 : i32
      %dma_wait3A_119 = tpu.memref_slice %arg9[%dma_wait3A, %dma_wait3A_118] : memref<8x128xi32, #tpu.memory_space<vmem>> -> memref<1x128xi32, #tpu.memory_space<vmem>>
      %dma_wait3A_120 = tpu.memref_squeeze %dma_wait3A_119 : memref<1x128xi32, #tpu.memory_space<vmem>> -> memref<128xi32, #tpu.memory_space<vmem>>
      %dma_wait3A_121 = arith.constant 0 : i32
      %dma_wait3A_122 = arith.constant 0 : i32
      %dma_wait3A_123 = tpu.memref_slice %arg3[%dma_wait3A_121, %dma_wait3A_122] : memref<2056x16xf32, #tpu.memory_space<hbm>> -> memref<2056x16xf32, #tpu.memory_space<hbm>>
      tpu.wait_indirect_dma semaphore(%arg12 : memref<!tpu.dma_semaphore, #tpu.memory_space<semaphore_mem>>) src(%dma_wait3A_123 : memref<2056x16xf32, #tpu.memory_space<hbm>>) dst(%dma_wait3A_117 : memref<128x16xf32, #tpu.memory_space<vmem>>)
      %run_scoped3A_124 = arith.constant 4 : i32
      %run_scoped3A_125 = arith.constant 4 : i32
      "tpu.region"() ({
        %run_scoped3A_126 = tpu.sem_alloc : memref<!tpu.dma_semaphore, #tpu.memory_space<semaphore_mem>>
        %dma_start3A_127 = arith.constant 0 : i32
        %dma_start3A_128 = arith.constant 0 : i32
        %dma_start3A_129 = tpu.memref_slice %arg10[%run_scoped3A_124, %dma_start3A_127, %dma_start3A_128] : memref<8x128x16xf32, #tpu.memory_space<vmem>> -> memref<1x128x16xf32, #tpu.memory_space<vmem>>
        %dma_start3A_130 = tpu.memref_squeeze %dma_start3A_129 : memref<1x128x16xf32, #tpu.memory_space<vmem>> -> memref<128x16xf32, #tpu.memory_space<vmem>>
        %dma_start3A_131 = arith.constant 0 : i32
        %dma_start3A_132 = arith.constant 0 : i32
        %dma_start3A_133 = tpu.memref_slice %arg4[%add3A, %run_scoped3A_125, %dma_start3A_131, %dma_start3A_132] : memref<32x8x128x16xf32, #tpu.memory_space<hbm>> -> memref<1x1x128x16xf32, #tpu.memory_space<hbm>>
        %dma_start3A_134 = tpu.memref_squeeze %dma_start3A_133 : memref<1x1x128x16xf32, #tpu.memory_space<hbm>> -> memref<128x16xf32, #tpu.memory_space<hbm>>
        %dma_start3A_135 = arith.constant 0 : i32
        %dma_start3A_136 = arith.constant 0 : i32
        %dma_start3A_137 = tpu.memref_slice %arg4[%add3A, %run_scoped3A_125, %dma_start3A_135, %dma_start3A_136] : memref<32x8x128x16xf32, #tpu.memory_space<hbm>> -> memref<1x1x128x16xf32, #tpu.memory_space<hbm>>
        %dma_start3A_138 = tpu.memref_squeeze %dma_start3A_137 : memref<1x1x128x16xf32, #tpu.memory_space<hbm>> -> memref<128x16xf32, #tpu.memory_space<hbm>>
        %dma_start3A_139 = arith.constant 0 : i32
        %dma_start3A_140 = arith.constant 0 : i32
        %dma_start3A_141 = tpu.memref_slice %arg10[%run_scoped3A_124, %dma_start3A_139, %dma_start3A_140] : memref<8x128x16xf32, #tpu.memory_space<vmem>> -> memref<1x128x16xf32, #tpu.memory_space<vmem>>
        %dma_start3A_142 = tpu.memref_squeeze %dma_start3A_141 : memref<1x128x16xf32, #tpu.memory_space<vmem>> -> memref<128x16xf32, #tpu.memory_space<vmem>>
        tpu.enqueue_dma source(%dma_start3A_142 : memref<128x16xf32, #tpu.memory_space<vmem>>) target(%dma_start3A_138 : memref<128x16xf32, #tpu.memory_space<hbm>>) target_semaphore(%run_scoped3A_126 : memref<!tpu.dma_semaphore, #tpu.memory_space<semaphore_mem>>)
        %dma_wait3A_143 = arith.constant 0 : i32
        %dma_wait3A_144 = arith.constant 0 : i32
        %dma_wait3A_145 = tpu.memref_slice %arg10[%run_scoped3A_124, %dma_wait3A_143, %dma_wait3A_144] : memref<8x128x16xf32, #tpu.memory_space<vmem>> -> memref<1x128x16xf32, #tpu.memory_space<vmem>>
        %dma_wait3A_146 = tpu.memref_squeeze %dma_wait3A_145 : memref<1x128x16xf32, #tpu.memory_space<vmem>> -> memref<128x16xf32, #tpu.memory_space<vmem>>
        %dma_wait3A_147 = arith.constant 0 : i32
        %dma_wait3A_148 = arith.constant 0 : i32
        %dma_wait3A_149 = tpu.memref_slice %arg4[%add3A, %run_scoped3A_125, %dma_wait3A_147, %dma_wait3A_148] : memref<32x8x128x16xf32, #tpu.memory_space<hbm>> -> memref<1x1x128x16xf32, #tpu.memory_space<hbm>>
        %dma_wait3A_150 = tpu.memref_squeeze %dma_wait3A_149 : memref<1x1x128x16xf32, #tpu.memory_space<hbm>> -> memref<128x16xf32, #tpu.memory_space<hbm>>
        %dma_wait3A_151 = arith.constant 0 : i32
        %dma_wait3A_152 = arith.constant 0 : i32
        %dma_wait3A_153 = tpu.memref_slice %arg4[%add3A, %run_scoped3A_125, %dma_wait3A_151, %dma_wait3A_152] : memref<32x8x128x16xf32, #tpu.memory_space<hbm>> -> memref<1x1x128x16xf32, #tpu.memory_space<hbm>>
        %dma_wait3A_154 = tpu.memref_squeeze %dma_wait3A_153 : memref<1x1x128x16xf32, #tpu.memory_space<hbm>> -> memref<128x16xf32, #tpu.memory_space<hbm>>
        %dma_wait3A_155 = arith.constant 0 : i32
        %dma_wait3A_156 = arith.constant 0 : i32
        %dma_wait3A_157 = tpu.memref_slice %arg10[%run_scoped3A_124, %dma_wait3A_155, %dma_wait3A_156] : memref<8x128x16xf32, #tpu.memory_space<vmem>> -> memref<1x128x16xf32, #tpu.memory_space<vmem>>
        %dma_wait3A_158 = tpu.memref_squeeze %dma_wait3A_157 : memref<1x128x16xf32, #tpu.memory_space<vmem>> -> memref<128x16xf32, #tpu.memory_space<vmem>>
        tpu.wait_dma2 semaphore(%run_scoped3A_126 : memref<!tpu.dma_semaphore, #tpu.memory_space<semaphore_mem>>) src(%dma_wait3A_158 : memref<128x16xf32, #tpu.memory_space<vmem>>) dst(%dma_wait3A_154 : memref<128x16xf32, #tpu.memory_space<hbm>>)
        tpu.yield
      }) : () -> ()
    } else {
    }
    %gt3A_87 = arith.constant 640 : i32
    %gt3A_88 = arith.cmpi sgt, %reduce_max3A_63, %gt3A_87 : i32
    %convert_element_type3A_89 = arith.extui %gt3A_88 : i1 to i32
    %cond3A_90 = arith.constant 0 : i32
    %cond3A_91 = arith.cmpi ne, %convert_element_type3A_89, %cond3A_90 : i32
    scf.if %cond3A_91 {
      %dma_start3A = arith.constant 5 : i32
      %dma_start3A_102 = arith.constant 5 : i32
      %dma_start3A_103 = arith.constant 0 : i32
      %dma_start3A_104 = arith.constant 0 : i32
      %dma_start3A_105 = tpu.memref_slice %arg10[%dma_start3A_102, %dma_start3A_103, %dma_start3A_104] : memref<8x128x16xf32, #tpu.memory_space<vmem>> -> memref<1x128x16xf32, #tpu.memory_space<vmem>>
      %dma_start3A_106 = tpu.memref_squeeze %dma_start3A_105 : memref<1x128x16xf32, #tpu.memory_space<vmem>> -> memref<128x16xf32, #tpu.memory_space<vmem>>
      %dma_start3A_107 = arith.constant 0 : i32
      %dma_start3A_108 = tpu.memref_slice %arg9[%dma_start3A, %dma_start3A_107] : memref<8x128xi32, #tpu.memory_space<vmem>> -> memref<1x128xi32, #tpu.memory_space<vmem>>
      %dma_start3A_109 = tpu.memref_squeeze %dma_start3A_108 : memref<1x128xi32, #tpu.memory_space<vmem>> -> memref<128xi32, #tpu.memory_space<vmem>>
      %dma_start3A_110 = arith.constant 0 : i32
      %dma_start3A_111 = arith.constant 0 : i32
      %dma_start3A_112 = tpu.memref_slice %arg3[%dma_start3A_110, %dma_start3A_111] : memref<2056x16xf32, #tpu.memory_space<hbm>> -> memref<2056x16xf32, #tpu.memory_space<hbm>>
      tpu.enqueue_indirect_dma source(%dma_start3A_112 : memref<2056x16xf32, #tpu.memory_space<hbm>>) target(%dma_start3A_106 : memref<128x16xf32, #tpu.memory_space<vmem>>) offsets(%dma_start3A_109 : memref<128xi32, #tpu.memory_space<vmem>>) semaphore(%arg12 : memref<!tpu.dma_semaphore, #tpu.memory_space<semaphore_mem>>)
      %dma_wait3A = arith.constant 5 : i32
      %dma_wait3A_113 = arith.constant 5 : i32
      %dma_wait3A_114 = arith.constant 0 : i32
      %dma_wait3A_115 = arith.constant 0 : i32
      %dma_wait3A_116 = tpu.memref_slice %arg10[%dma_wait3A_113, %dma_wait3A_114, %dma_wait3A_115] : memref<8x128x16xf32, #tpu.memory_space<vmem>> -> memref<1x128x16xf32, #tpu.memory_space<vmem>>
      %dma_wait3A_117 = tpu.memref_squeeze %dma_wait3A_116 : memref<1x128x16xf32, #tpu.memory_space<vmem>> -> memref<128x16xf32, #tpu.memory_space<vmem>>
      %dma_wait3A_118 = arith.constant 0 : i32
      %dma_wait3A_119 = tpu.memref_slice %arg9[%dma_wait3A, %dma_wait3A_118] : memref<8x128xi32, #tpu.memory_space<vmem>> -> memref<1x128xi32, #tpu.memory_space<vmem>>
      %dma_wait3A_120 = tpu.memref_squeeze %dma_wait3A_119 : memref<1x128xi32, #tpu.memory_space<vmem>> -> memref<128xi32, #tpu.memory_space<vmem>>
      %dma_wait3A_121 = arith.constant 0 : i32
      %dma_wait3A_122 = arith.constant 0 : i32
      %dma_wait3A_123 = tpu.memref_slice %arg3[%dma_wait3A_121, %dma_wait3A_122] : memref<2056x16xf32, #tpu.memory_space<hbm>> -> memref<2056x16xf32, #tpu.memory_space<hbm>>
      tpu.wait_indirect_dma semaphore(%arg12 : memref<!tpu.dma_semaphore, #tpu.memory_space<semaphore_mem>>) src(%dma_wait3A_123 : memref<2056x16xf32, #tpu.memory_space<hbm>>) dst(%dma_wait3A_117 : memref<128x16xf32, #tpu.memory_space<vmem>>)
      %run_scoped3A_124 = arith.constant 5 : i32
      %run_scoped3A_125 = arith.constant 5 : i32
      "tpu.region"() ({
        %run_scoped3A_126 = tpu.sem_alloc : memref<!tpu.dma_semaphore, #tpu.memory_space<semaphore_mem>>
        %dma_start3A_127 = arith.constant 0 : i32
        %dma_start3A_128 = arith.constant 0 : i32
        %dma_start3A_129 = tpu.memref_slice %arg10[%run_scoped3A_124, %dma_start3A_127, %dma_start3A_128] : memref<8x128x16xf32, #tpu.memory_space<vmem>> -> memref<1x128x16xf32, #tpu.memory_space<vmem>>
        %dma_start3A_130 = tpu.memref_squeeze %dma_start3A_129 : memref<1x128x16xf32, #tpu.memory_space<vmem>> -> memref<128x16xf32, #tpu.memory_space<vmem>>
        %dma_start3A_131 = arith.constant 0 : i32
        %dma_start3A_132 = arith.constant 0 : i32
        %dma_start3A_133 = tpu.memref_slice %arg4[%add3A, %run_scoped3A_125, %dma_start3A_131, %dma_start3A_132] : memref<32x8x128x16xf32, #tpu.memory_space<hbm>> -> memref<1x1x128x16xf32, #tpu.memory_space<hbm>>
        %dma_start3A_134 = tpu.memref_squeeze %dma_start3A_133 : memref<1x1x128x16xf32, #tpu.memory_space<hbm>> -> memref<128x16xf32, #tpu.memory_space<hbm>>
        %dma_start3A_135 = arith.constant 0 : i32
        %dma_start3A_136 = arith.constant 0 : i32
        %dma_start3A_137 = tpu.memref_slice %arg4[%add3A, %run_scoped3A_125, %dma_start3A_135, %dma_start3A_136] : memref<32x8x128x16xf32, #tpu.memory_space<hbm>> -> memref<1x1x128x16xf32, #tpu.memory_space<hbm>>
        %dma_start3A_138 = tpu.memref_squeeze %dma_start3A_137 : memref<1x1x128x16xf32, #tpu.memory_space<hbm>> -> memref<128x16xf32, #tpu.memory_space<hbm>>
        %dma_start3A_139 = arith.constant 0 : i32
        %dma_start3A_140 = arith.constant 0 : i32
        %dma_start3A_141 = tpu.memref_slice %arg10[%run_scoped3A_124, %dma_start3A_139, %dma_start3A_140] : memref<8x128x16xf32, #tpu.memory_space<vmem>> -> memref<1x128x16xf32, #tpu.memory_space<vmem>>
        %dma_start3A_142 = tpu.memref_squeeze %dma_start3A_141 : memref<1x128x16xf32, #tpu.memory_space<vmem>> -> memref<128x16xf32, #tpu.memory_space<vmem>>
        tpu.enqueue_dma source(%dma_start3A_142 : memref<128x16xf32, #tpu.memory_space<vmem>>) target(%dma_start3A_138 : memref<128x16xf32, #tpu.memory_space<hbm>>) target_semaphore(%run_scoped3A_126 : memref<!tpu.dma_semaphore, #tpu.memory_space<semaphore_mem>>)
        %dma_wait3A_143 = arith.constant 0 : i32
        %dma_wait3A_144 = arith.constant 0 : i32
        %dma_wait3A_145 = tpu.memref_slice %arg10[%run_scoped3A_124, %dma_wait3A_143, %dma_wait3A_144] : memref<8x128x16xf32, #tpu.memory_space<vmem>> -> memref<1x128x16xf32, #tpu.memory_space<vmem>>
        %dma_wait3A_146 = tpu.memref_squeeze %dma_wait3A_145 : memref<1x128x16xf32, #tpu.memory_space<vmem>> -> memref<128x16xf32, #tpu.memory_space<vmem>>
        %dma_wait3A_147 = arith.constant 0 : i32
        %dma_wait3A_148 = arith.constant 0 : i32
        %dma_wait3A_149 = tpu.memref_slice %arg4[%add3A, %run_scoped3A_125, %dma_wait3A_147, %dma_wait3A_148] : memref<32x8x128x16xf32, #tpu.memory_space<hbm>> -> memref<1x1x128x16xf32, #tpu.memory_space<hbm>>
        %dma_wait3A_150 = tpu.memref_squeeze %dma_wait3A_149 : memref<1x1x128x16xf32, #tpu.memory_space<hbm>> -> memref<128x16xf32, #tpu.memory_space<hbm>>
        %dma_wait3A_151 = arith.constant 0 : i32
        %dma_wait3A_152 = arith.constant 0 : i32
        %dma_wait3A_153 = tpu.memref_slice %arg4[%add3A, %run_scoped3A_125, %dma_wait3A_151, %dma_wait3A_152] : memref<32x8x128x16xf32, #tpu.memory_space<hbm>> -> memref<1x1x128x16xf32, #tpu.memory_space<hbm>>
        %dma_wait3A_154 = tpu.memref_squeeze %dma_wait3A_153 : memref<1x1x128x16xf32, #tpu.memory_space<hbm>> -> memref<128x16xf32, #tpu.memory_space<hbm>>
        %dma_wait3A_155 = arith.constant 0 : i32
        %dma_wait3A_156 = arith.constant 0 : i32
        %dma_wait3A_157 = tpu.memref_slice %arg10[%run_scoped3A_124, %dma_wait3A_155, %dma_wait3A_156] : memref<8x128x16xf32, #tpu.memory_space<vmem>> -> memref<1x128x16xf32, #tpu.memory_space<vmem>>
        %dma_wait3A_158 = tpu.memref_squeeze %dma_wait3A_157 : memref<1x128x16xf32, #tpu.memory_space<vmem>> -> memref<128x16xf32, #tpu.memory_space<vmem>>
        tpu.wait_dma2 semaphore(%run_scoped3A_126 : memref<!tpu.dma_semaphore, #tpu.memory_space<semaphore_mem>>) src(%dma_wait3A_158 : memref<128x16xf32, #tpu.memory_space<vmem>>) dst(%dma_wait3A_154 : memref<128x16xf32, #tpu.memory_space<hbm>>)
        tpu.yield
      }) : () -> ()
    } else {
    }
    %gt3A_92 = arith.constant 768 : i32
    %gt3A_93 = arith.cmpi sgt, %reduce_max3A_63, %gt3A_92 : i32
    %convert_element_type3A_94 = arith.extui %gt3A_93 : i1 to i32
    %cond3A_95 = arith.constant 0 : i32
    %cond3A_96 = arith.cmpi ne, %convert_element_type3A_94, %cond3A_95 : i32
    scf.if %cond3A_96 {
      %dma_start3A = arith.constant 6 : i32
      %dma_start3A_102 = arith.constant 6 : i32
      %dma_start3A_103 = arith.constant 0 : i32
      %dma_start3A_104 = arith.constant 0 : i32
      %dma_start3A_105 = tpu.memref_slice %arg10[%dma_start3A_102, %dma_start3A_103, %dma_start3A_104] : memref<8x128x16xf32, #tpu.memory_space<vmem>> -> memref<1x128x16xf32, #tpu.memory_space<vmem>>
      %dma_start3A_106 = tpu.memref_squeeze %dma_start3A_105 : memref<1x128x16xf32, #tpu.memory_space<vmem>> -> memref<128x16xf32, #tpu.memory_space<vmem>>
      %dma_start3A_107 = arith.constant 0 : i32
      %dma_start3A_108 = tpu.memref_slice %arg9[%dma_start3A, %dma_start3A_107] : memref<8x128xi32, #tpu.memory_space<vmem>> -> memref<1x128xi32, #tpu.memory_space<vmem>>
      %dma_start3A_109 = tpu.memref_squeeze %dma_start3A_108 : memref<1x128xi32, #tpu.memory_space<vmem>> -> memref<128xi32, #tpu.memory_space<vmem>>
      %dma_start3A_110 = arith.constant 0 : i32
      %dma_start3A_111 = arith.constant 0 : i32
      %dma_start3A_112 = tpu.memref_slice %arg3[%dma_start3A_110, %dma_start3A_111] : memref<2056x16xf32, #tpu.memory_space<hbm>> -> memref<2056x16xf32, #tpu.memory_space<hbm>>
      tpu.enqueue_indirect_dma source(%dma_start3A_112 : memref<2056x16xf32, #tpu.memory_space<hbm>>) target(%dma_start3A_106 : memref<128x16xf32, #tpu.memory_space<vmem>>) offsets(%dma_start3A_109 : memref<128xi32, #tpu.memory_space<vmem>>) semaphore(%arg12 : memref<!tpu.dma_semaphore, #tpu.memory_space<semaphore_mem>>)
      %dma_wait3A = arith.constant 6 : i32
      %dma_wait3A_113 = arith.constant 6 : i32
      %dma_wait3A_114 = arith.constant 0 : i32
      %dma_wait3A_115 = arith.constant 0 : i32
      %dma_wait3A_116 = tpu.memref_slice %arg10[%dma_wait3A_113, %dma_wait3A_114, %dma_wait3A_115] : memref<8x128x16xf32, #tpu.memory_space<vmem>> -> memref<1x128x16xf32, #tpu.memory_space<vmem>>
      %dma_wait3A_117 = tpu.memref_squeeze %dma_wait3A_116 : memref<1x128x16xf32, #tpu.memory_space<vmem>> -> memref<128x16xf32, #tpu.memory_space<vmem>>
      %dma_wait3A_118 = arith.constant 0 : i32
      %dma_wait3A_119 = tpu.memref_slice %arg9[%dma_wait3A, %dma_wait3A_118] : memref<8x128xi32, #tpu.memory_space<vmem>> -> memref<1x128xi32, #tpu.memory_space<vmem>>
      %dma_wait3A_120 = tpu.memref_squeeze %dma_wait3A_119 : memref<1x128xi32, #tpu.memory_space<vmem>> -> memref<128xi32, #tpu.memory_space<vmem>>
      %dma_wait3A_121 = arith.constant 0 : i32
      %dma_wait3A_122 = arith.constant 0 : i32
      %dma_wait3A_123 = tpu.memref_slice %arg3[%dma_wait3A_121, %dma_wait3A_122] : memref<2056x16xf32, #tpu.memory_space<hbm>> -> memref<2056x16xf32, #tpu.memory_space<hbm>>
      tpu.wait_indirect_dma semaphore(%arg12 : memref<!tpu.dma_semaphore, #tpu.memory_space<semaphore_mem>>) src(%dma_wait3A_123 : memref<2056x16xf32, #tpu.memory_space<hbm>>) dst(%dma_wait3A_117 : memref<128x16xf32, #tpu.memory_space<vmem>>)
      %run_scoped3A_124 = arith.constant 6 : i32
      %run_scoped3A_125 = arith.constant 6 : i32
      "tpu.region"() ({
        %run_scoped3A_126 = tpu.sem_alloc : memref<!tpu.dma_semaphore, #tpu.memory_space<semaphore_mem>>
        %dma_start3A_127 = arith.constant 0 : i32
        %dma_start3A_128 = arith.constant 0 : i32
        %dma_start3A_129 = tpu.memref_slice %arg10[%run_scoped3A_124, %dma_start3A_127, %dma_start3A_128] : memref<8x128x16xf32, #tpu.memory_space<vmem>> -> memref<1x128x16xf32, #tpu.memory_space<vmem>>
        %dma_start3A_130 = tpu.memref_squeeze %dma_start3A_129 : memref<1x128x16xf32, #tpu.memory_space<vmem>> -> memref<128x16xf32, #tpu.memory_space<vmem>>
        %dma_start3A_131 = arith.constant 0 : i32
        %dma_start3A_132 = arith.constant 0 : i32
        %dma_start3A_133 = tpu.memref_slice %arg4[%add3A, %run_scoped3A_125, %dma_start3A_131, %dma_start3A_132] : memref<32x8x128x16xf32, #tpu.memory_space<hbm>> -> memref<1x1x128x16xf32, #tpu.memory_space<hbm>>
        %dma_start3A_134 = tpu.memref_squeeze %dma_start3A_133 : memref<1x1x128x16xf32, #tpu.memory_space<hbm>> -> memref<128x16xf32, #tpu.memory_space<hbm>>
        %dma_start3A_135 = arith.constant 0 : i32
        %dma_start3A_136 = arith.constant 0 : i32
        %dma_start3A_137 = tpu.memref_slice %arg4[%add3A, %run_scoped3A_125, %dma_start3A_135, %dma_start3A_136] : memref<32x8x128x16xf32, #tpu.memory_space<hbm>> -> memref<1x1x128x16xf32, #tpu.memory_space<hbm>>
        %dma_start3A_138 = tpu.memref_squeeze %dma_start3A_137 : memref<1x1x128x16xf32, #tpu.memory_space<hbm>> -> memref<128x16xf32, #tpu.memory_space<hbm>>
        %dma_start3A_139 = arith.constant 0 : i32
        %dma_start3A_140 = arith.constant 0 : i32
        %dma_start3A_141 = tpu.memref_slice %arg10[%run_scoped3A_124, %dma_start3A_139, %dma_start3A_140] : memref<8x128x16xf32, #tpu.memory_space<vmem>> -> memref<1x128x16xf32, #tpu.memory_space<vmem>>
        %dma_start3A_142 = tpu.memref_squeeze %dma_start3A_141 : memref<1x128x16xf32, #tpu.memory_space<vmem>> -> memref<128x16xf32, #tpu.memory_space<vmem>>
        tpu.enqueue_dma source(%dma_start3A_142 : memref<128x16xf32, #tpu.memory_space<vmem>>) target(%dma_start3A_138 : memref<128x16xf32, #tpu.memory_space<hbm>>) target_semaphore(%run_scoped3A_126 : memref<!tpu.dma_semaphore, #tpu.memory_space<semaphore_mem>>)
        %dma_wait3A_143 = arith.constant 0 : i32
        %dma_wait3A_144 = arith.constant 0 : i32
        %dma_wait3A_145 = tpu.memref_slice %arg10[%run_scoped3A_124, %dma_wait3A_143, %dma_wait3A_144] : memref<8x128x16xf32, #tpu.memory_space<vmem>> -> memref<1x128x16xf32, #tpu.memory_space<vmem>>
        %dma_wait3A_146 = tpu.memref_squeeze %dma_wait3A_145 : memref<1x128x16xf32, #tpu.memory_space<vmem>> -> memref<128x16xf32, #tpu.memory_space<vmem>>
        %dma_wait3A_147 = arith.constant 0 : i32
        %dma_wait3A_148 = arith.constant 0 : i32
        %dma_wait3A_149 = tpu.memref_slice %arg4[%add3A, %run_scoped3A_125, %dma_wait3A_147, %dma_wait3A_148] : memref<32x8x128x16xf32, #tpu.memory_space<hbm>> -> memref<1x1x128x16xf32, #tpu.memory_space<hbm>>
        %dma_wait3A_150 = tpu.memref_squeeze %dma_wait3A_149 : memref<1x1x128x16xf32, #tpu.memory_space<hbm>> -> memref<128x16xf32, #tpu.memory_space<hbm>>
        %dma_wait3A_151 = arith.constant 0 : i32
        %dma_wait3A_152 = arith.constant 0 : i32
        %dma_wait3A_153 = tpu.memref_slice %arg4[%add3A, %run_scoped3A_125, %dma_wait3A_151, %dma_wait3A_152] : memref<32x8x128x16xf32, #tpu.memory_space<hbm>> -> memref<1x1x128x16xf32, #tpu.memory_space<hbm>>
        %dma_wait3A_154 = tpu.memref_squeeze %dma_wait3A_153 : memref<1x1x128x16xf32, #tpu.memory_space<hbm>> -> memref<128x16xf32, #tpu.memory_space<hbm>>
        %dma_wait3A_155 = arith.constant 0 : i32
        %dma_wait3A_156 = arith.constant 0 : i32
        %dma_wait3A_157 = tpu.memref_slice %arg10[%run_scoped3A_124, %dma_wait3A_155, %dma_wait3A_156] : memref<8x128x16xf32, #tpu.memory_space<vmem>> -> memref<1x128x16xf32, #tpu.memory_space<vmem>>
        %dma_wait3A_158 = tpu.memref_squeeze %dma_wait3A_157 : memref<1x128x16xf32, #tpu.memory_space<vmem>> -> memref<128x16xf32, #tpu.memory_space<vmem>>
        tpu.wait_dma2 semaphore(%run_scoped3A_126 : memref<!tpu.dma_semaphore, #tpu.memory_space<semaphore_mem>>) src(%dma_wait3A_158 : memref<128x16xf32, #tpu.memory_space<vmem>>) dst(%dma_wait3A_154 : memref<128x16xf32, #tpu.memory_space<hbm>>)
        tpu.yield
      }) : () -> ()
    } else {
    }
    %gt3A_97 = arith.constant 896 : i32
    %gt3A_98 = arith.cmpi sgt, %reduce_max3A_63, %gt3A_97 : i32
    %convert_element_type3A_99 = arith.extui %gt3A_98 : i1 to i32
    %cond3A_100 = arith.constant 0 : i32
    %cond3A_101 = arith.cmpi ne, %convert_element_type3A_99, %cond3A_100 : i32
    scf.if %cond3A_101 {
      %dma_start3A = arith.constant 7 : i32
      %dma_start3A_102 = arith.constant 7 : i32
      %dma_start3A_103 = arith.constant 0 : i32
      %dma_start3A_104 = arith.constant 0 : i32
      %dma_start3A_105 = tpu.memref_slice %arg10[%dma_start3A_102, %dma_start3A_103, %dma_start3A_104] : memref<8x128x16xf32, #tpu.memory_space<vmem>> -> memref<1x128x16xf32, #tpu.memory_space<vmem>>
      %dma_start3A_106 = tpu.memref_squeeze %dma_start3A_105 : memref<1x128x16xf32, #tpu.memory_space<vmem>> -> memref<128x16xf32, #tpu.memory_space<vmem>>
      %dma_start3A_107 = arith.constant 0 : i32
      %dma_start3A_108 = tpu.memref_slice %arg9[%dma_start3A, %dma_start3A_107] : memref<8x128xi32, #tpu.memory_space<vmem>> -> memref<1x128xi32, #tpu.memory_space<vmem>>
      %dma_start3A_109 = tpu.memref_squeeze %dma_start3A_108 : memref<1x128xi32, #tpu.memory_space<vmem>> -> memref<128xi32, #tpu.memory_space<vmem>>
      %dma_start3A_110 = arith.constant 0 : i32
      %dma_start3A_111 = arith.constant 0 : i32
      %dma_start3A_112 = tpu.memref_slice %arg3[%dma_start3A_110, %dma_start3A_111] : memref<2056x16xf32, #tpu.memory_space<hbm>> -> memref<2056x16xf32, #tpu.memory_space<hbm>>
      tpu.enqueue_indirect_dma source(%dma_start3A_112 : memref<2056x16xf32, #tpu.memory_space<hbm>>) target(%dma_start3A_106 : memref<128x16xf32, #tpu.memory_space<vmem>>) offsets(%dma_start3A_109 : memref<128xi32, #tpu.memory_space<vmem>>) semaphore(%arg12 : memref<!tpu.dma_semaphore, #tpu.memory_space<semaphore_mem>>)
      %dma_wait3A = arith.constant 7 : i32
      %dma_wait3A_113 = arith.constant 7 : i32
      %dma_wait3A_114 = arith.constant 0 : i32
      %dma_wait3A_115 = arith.constant 0 : i32
      %dma_wait3A_116 = tpu.memref_slice %arg10[%dma_wait3A_113, %dma_wait3A_114, %dma_wait3A_115] : memref<8x128x16xf32, #tpu.memory_space<vmem>> -> memref<1x128x16xf32, #tpu.memory_space<vmem>>
      %dma_wait3A_117 = tpu.memref_squeeze %dma_wait3A_116 : memref<1x128x16xf32, #tpu.memory_space<vmem>> -> memref<128x16xf32, #tpu.memory_space<vmem>>
      %dma_wait3A_118 = arith.constant 0 : i32
      %dma_wait3A_119 = tpu.memref_slice %arg9[%dma_wait3A, %dma_wait3A_118] : memref<8x128xi32, #tpu.memory_space<vmem>> -> memref<1x128xi32, #tpu.memory_space<vmem>>
      %dma_wait3A_120 = tpu.memref_squeeze %dma_wait3A_119 : memref<1x128xi32, #tpu.memory_space<vmem>> -> memref<128xi32, #tpu.memory_space<vmem>>
      %dma_wait3A_121 = arith.constant 0 : i32
      %dma_wait3A_122 = arith.constant 0 : i32
      %dma_wait3A_123 = tpu.memref_slice %arg3[%dma_wait3A_121, %dma_wait3A_122] : memref<2056x16xf32, #tpu.memory_space<hbm>> -> memref<2056x16xf32, #tpu.memory_space<hbm>>
      tpu.wait_indirect_dma semaphore(%arg12 : memref<!tpu.dma_semaphore, #tpu.memory_space<semaphore_mem>>) src(%dma_wait3A_123 : memref<2056x16xf32, #tpu.memory_space<hbm>>) dst(%dma_wait3A_117 : memref<128x16xf32, #tpu.memory_space<vmem>>)
      %run_scoped3A_124 = arith.constant 7 : i32
      %run_scoped3A_125 = arith.constant 7 : i32
      "tpu.region"() ({
        %run_scoped3A_126 = tpu.sem_alloc : memref<!tpu.dma_semaphore, #tpu.memory_space<semaphore_mem>>
        %dma_start3A_127 = arith.constant 0 : i32
        %dma_start3A_128 = arith.constant 0 : i32
        %dma_start3A_129 = tpu.memref_slice %arg10[%run_scoped3A_124, %dma_start3A_127, %dma_start3A_128] : memref<8x128x16xf32, #tpu.memory_space<vmem>> -> memref<1x128x16xf32, #tpu.memory_space<vmem>>
        %dma_start3A_130 = tpu.memref_squeeze %dma_start3A_129 : memref<1x128x16xf32, #tpu.memory_space<vmem>> -> memref<128x16xf32, #tpu.memory_space<vmem>>
        %dma_start3A_131 = arith.constant 0 : i32
        %dma_start3A_132 = arith.constant 0 : i32
        %dma_start3A_133 = tpu.memref_slice %arg4[%add3A, %run_scoped3A_125, %dma_start3A_131, %dma_start3A_132] : memref<32x8x128x16xf32, #tpu.memory_space<hbm>> -> memref<1x1x128x16xf32, #tpu.memory_space<hbm>>
        %dma_start3A_134 = tpu.memref_squeeze %dma_start3A_133 : memref<1x1x128x16xf32, #tpu.memory_space<hbm>> -> memref<128x16xf32, #tpu.memory_space<hbm>>
        %dma_start3A_135 = arith.constant 0 : i32
        %dma_start3A_136 = arith.constant 0 : i32
        %dma_start3A_137 = tpu.memref_slice %arg4[%add3A, %run_scoped3A_125, %dma_start3A_135, %dma_start3A_136] : memref<32x8x128x16xf32, #tpu.memory_space<hbm>> -> memref<1x1x128x16xf32, #tpu.memory_space<hbm>>
        %dma_start3A_138 = tpu.memref_squeeze %dma_start3A_137 : memref<1x1x128x16xf32, #tpu.memory_space<hbm>> -> memref<128x16xf32, #tpu.memory_space<hbm>>
        %dma_start3A_139 = arith.constant 0 : i32
        %dma_start3A_140 = arith.constant 0 : i32
        %dma_start3A_141 = tpu.memref_slice %arg10[%run_scoped3A_124, %dma_start3A_139, %dma_start3A_140] : memref<8x128x16xf32, #tpu.memory_space<vmem>> -> memref<1x128x16xf32, #tpu.memory_space<vmem>>
        %dma_start3A_142 = tpu.memref_squeeze %dma_start3A_141 : memref<1x128x16xf32, #tpu.memory_space<vmem>> -> memref<128x16xf32, #tpu.memory_space<vmem>>
        tpu.enqueue_dma source(%dma_start3A_142 : memref<128x16xf32, #tpu.memory_space<vmem>>) target(%dma_start3A_138 : memref<128x16xf32, #tpu.memory_space<hbm>>) target_semaphore(%run_scoped3A_126 : memref<!tpu.dma_semaphore, #tpu.memory_space<semaphore_mem>>)
        %dma_wait3A_143 = arith.constant 0 : i32
        %dma_wait3A_144 = arith.constant 0 : i32
        %dma_wait3A_145 = tpu.memref_slice %arg10[%run_scoped3A_124, %dma_wait3A_143, %dma_wait3A_144] : memref<8x128x16xf32, #tpu.memory_space<vmem>> -> memref<1x128x16xf32, #tpu.memory_space<vmem>>
        %dma_wait3A_146 = tpu.memref_squeeze %dma_wait3A_145 : memref<1x128x16xf32, #tpu.memory_space<vmem>> -> memref<128x16xf32, #tpu.memory_space<vmem>>
        %dma_wait3A_147 = arith.constant 0 : i32
        %dma_wait3A_148 = arith.constant 0 : i32
        %dma_wait3A_149 = tpu.memref_slice %arg4[%add3A, %run_scoped3A_125, %dma_wait3A_147, %dma_wait3A_148] : memref<32x8x128x16xf32, #tpu.memory_space<hbm>> -> memref<1x1x128x16xf32, #tpu.memory_space<hbm>>
        %dma_wait3A_150 = tpu.memref_squeeze %dma_wait3A_149 : memref<1x1x128x16xf32, #tpu.memory_space<hbm>> -> memref<128x16xf32, #tpu.memory_space<hbm>>
        %dma_wait3A_151 = arith.constant 0 : i32
        %dma_wait3A_152 = arith.constant 0 : i32
        %dma_wait3A_153 = tpu.memref_slice %arg4[%add3A, %run_scoped3A_125, %dma_wait3A_151, %dma_wait3A_152] : memref<32x8x128x16xf32, #tpu.memory_space<hbm>> -> memref<1x1x128x16xf32, #tpu.memory_space<hbm>>
        %dma_wait3A_154 = tpu.memref_squeeze %dma_wait3A_153 : memref<1x1x128x16xf32, #tpu.memory_space<hbm>> -> memref<128x16xf32, #tpu.memory_space<hbm>>
        %dma_wait3A_155 = arith.constant 0 : i32
        %dma_wait3A_156 = arith.constant 0 : i32
        %dma_wait3A_157 = tpu.memref_slice %arg10[%run_scoped3A_124, %dma_wait3A_155, %dma_wait3A_156] : memref<8x128x16xf32, #tpu.memory_space<vmem>> -> memref<1x128x16xf32, #tpu.memory_space<vmem>>
        %dma_wait3A_158 = tpu.memref_squeeze %dma_wait3A_157 : memref<1x128x16xf32, #tpu.memory_space<vmem>> -> memref<128x16xf32, #tpu.memory_space<vmem>>
        tpu.wait_dma2 semaphore(%run_scoped3A_126 : memref<!tpu.dma_semaphore, #tpu.memory_space<semaphore_mem>>) src(%dma_wait3A_158 : memref<128x16xf32, #tpu.memory_space<vmem>>) dst(%dma_wait3A_154 : memref<128x16xf32, #tpu.memory_space<hbm>>)
        tpu.yield
      }) : () -> ()
    } else {
    }
    return
  }
}

module attributes {stable_mosaic.version = 14 : i64} {
  func.func @_tc_prep_body(%arg0: memref<16x2048xf32, #tpu.memory_space<vmem>>, %arg1: memref<24x2048xf32, #tpu.memory_space<vmem>>) attributes {dimension_semantics = [], scalar_prefetch = 0 : i64, scratch_operands = 0 : i64, tpu.core_type = #tpu.core_type<tc>} {
    %get3A = arith.constant 2 : index
    %get3A_0 = arith.constant 0 : index
    %get3A_1 = vector.load %arg0[%get3A, %get3A_0] : memref<16x2048xf32, #tpu.memory_space<vmem>>, vector<1x2048xf32>
    %get3A_2 = arith.constant 3 : index
    %get3A_3 = arith.constant 0 : index
    %get3A_4 = vector.load %arg0[%get3A_2, %get3A_3] : memref<16x2048xf32, #tpu.memory_space<vmem>>, vector<1x2048xf32>
    %get3A_5 = arith.constant 4 : index
    %get3A_6 = arith.constant 0 : index
    %get3A_7 = vector.load %arg0[%get3A_5, %get3A_6] : memref<16x2048xf32, #tpu.memory_space<vmem>>, vector<1x2048xf32>
    %get3A_8 = arith.constant 5 : index
    %get3A_9 = arith.constant 0 : index
    %get3A_10 = vector.load %arg0[%get3A_8, %get3A_9] : memref<16x2048xf32, #tpu.memory_space<vmem>>, vector<1x2048xf32>
    %mul3A = arith.mulf %get3A_1, %get3A_7 : vector<1x2048xf32>
    %mul3A_11 = arith.mulf %get3A_4, %get3A_4 : vector<1x2048xf32>
    %sub3A = arith.subf %mul3A, %mul3A_11 : vector<1x2048xf32>
    %gt3A = arith.constant 0.00392156886 : f32
    %gt3A_12 = vector.broadcast %gt3A : f32 to vector<1x2048xf32>
    %gt3A_13 = arith.cmpf ogt, %get3A_10, %gt3A_12 : vector<1x2048xf32>
    %gt3A_14 = arith.constant 9.99999993E-9 : f32
    %gt3A_15 = vector.broadcast %gt3A_14 : f32 to vector<1x2048xf32>
    %gt3A_16 = arith.cmpf ogt, %sub3A, %gt3A_15 : vector<1x2048xf32>
    %and3A = arith.andi %gt3A_13, %gt3A_16 : vector<1x2048xi1>
    %gt3A_17 = arith.constant 0.000000e+00 : f32
    %gt3A_18 = vector.broadcast %gt3A_17 : f32 to vector<1x2048xf32>
    %gt3A_19 = arith.cmpf ogt, %get3A_1, %gt3A_18 : vector<1x2048xf32>
    %and3A_20 = arith.andi %and3A, %gt3A_19 : vector<1x2048xi1>
    %gt3A_21 = arith.constant 0.000000e+00 : f32
    %gt3A_22 = vector.broadcast %gt3A_21 : f32 to vector<1x2048xf32>
    %gt3A_23 = arith.cmpf ogt, %get3A_7, %gt3A_22 : vector<1x2048xf32>
    %and3A_24 = arith.andi %and3A_20, %gt3A_23 : vector<1x2048xi1>
    %max3A = arith.constant 9.99999993E-9 : f32
    %max3A_25 = vector.broadcast %max3A : f32 to vector<1x2048xf32>
    %max3A_26 = arith.maximumf %get3A_10, %max3A_25 : vector<1x2048xf32>
    %div3A = arith.constant 0.00392156886 : f32
    %div3A_27 = vector.broadcast %div3A : f32 to vector<1x2048xf32>
    %div3A_28 = arith.divf %div3A_27, %max3A_26 : vector<1x2048xf32>
    %max3A_29 = arith.constant 9.99999993E-9 : f32
    %max3A_30 = vector.broadcast %max3A_29 : f32 to vector<1x2048xf32>
    %max3A_31 = arith.maximumf %div3A_28, %max3A_30 : vector<1x2048xf32>
    %log3A = math.log %max3A_31 : vector<1x2048xf32>
    %mul3A_32 = arith.constant -2.000000e+00 : f32
    %mul3A_33 = vector.broadcast %mul3A_32 : f32 to vector<1x2048xf32>
    %mul3A_34 = arith.mulf %mul3A_33, %log3A : vector<1x2048xf32>
    %gt3A_35 = arith.constant 0.000000e+00 : f32
    %gt3A_36 = vector.broadcast %gt3A_35 : f32 to vector<1x2048xf32>
    %gt3A_37 = arith.cmpf ogt, %mul3A_34, %gt3A_36 : vector<1x2048xf32>
    %and3A_38 = arith.andi %and3A_24, %gt3A_37 : vector<1x2048xi1>
    %max3A_39 = arith.constant 9.99999993E-9 : f32
    %max3A_40 = vector.broadcast %max3A_39 : f32 to vector<1x2048xf32>
    %max3A_41 = arith.maximumf %get3A_1, %max3A_40 : vector<1x2048xf32>
    %div3A_42 = arith.divf %sub3A, %max3A_41 : vector<1x2048xf32>
    %jit3A = arith.constant 0.000000e+00 : f32
    %broadcast_in_dim3A = vector.broadcast %jit3A : f32 to vector<1x2048xf32>
    %select_n3A = arith.select %and3A_38, %div3A_42, %broadcast_in_dim3A : vector<1x2048xi1>, vector<1x2048xf32>
    %mul3A_43 = arith.constant 1.001000e+00 : f32
    %mul3A_44 = vector.broadcast %mul3A_43 : f32 to vector<1x2048xf32>
    %mul3A_45 = arith.mulf %mul3A_34, %mul3A_44 : vector<1x2048xf32>
    %add3A = arith.constant 9.99999974E-6 : f32
    %add3A_46 = vector.broadcast %add3A : f32 to vector<1x2048xf32>
    %add3A_47 = arith.addf %mul3A_45, %add3A_46 : vector<1x2048xf32>
    %jit3A_48 = arith.constant -1.000000e+00 : f32
    %broadcast_in_dim3A_49 = vector.broadcast %jit3A_48 : f32 to vector<1x2048xf32>
    %select_n3A_50 = arith.select %and3A_38, %add3A_47, %broadcast_in_dim3A_49 : vector<1x2048xi1>, vector<1x2048xf32>
    %get3A_51 = arith.constant 0 : index
    %get3A_52 = arith.constant 0 : index
    %get3A_53 = vector.load %arg0[%get3A_51, %get3A_52] : memref<16x2048xf32, #tpu.memory_space<vmem>>, vector<9x2048xf32>
    %swap3A = arith.constant 0 : index
    %swap3A_54 = arith.constant 0 : index
    %swap3A_55 = vector.load %arg1[%swap3A, %swap3A_54] : memref<24x2048xf32, #tpu.memory_space<vmem>>, vector<9x2048xf32>
    tpu.vector_store %arg1[%swap3A, %swap3A_54], %get3A_53 {strides = array<i32>} : memref<24x2048xf32, #tpu.memory_space<vmem>>, vector<9x2048xf32>,
    %jit3A_56 = arith.constant -1.000000e+00 : f32
    %broadcast_in_dim3A_57 = vector.broadcast %jit3A_56 : f32 to vector<1x2048xf32>
    %select_n3A_58 = arith.select %and3A_38, %mul3A_34, %broadcast_in_dim3A_57 : vector<1x2048xi1>, vector<1x2048xf32>
    %swap3A_59 = arith.constant 9 : index
    %swap3A_60 = arith.constant 0 : index
    %swap3A_61 = vector.load %arg1[%swap3A_59, %swap3A_60] : memref<24x2048xf32, #tpu.memory_space<vmem>>, vector<1x2048xf32>
    tpu.vector_store %arg1[%swap3A_59, %swap3A_60], %select_n3A_58 {strides = array<i32>} : memref<24x2048xf32, #tpu.memory_space<vmem>>, vector<1x2048xf32>,
    %broadcast_in_dim3A_62 = arith.constant 0.000000e+00 : f32
    %broadcast_in_dim3A_63 = vector.broadcast %broadcast_in_dim3A_62 : f32 to vector<6x2048xf32>
    %swap3A_64 = arith.constant 10 : index
    %swap3A_65 = arith.constant 0 : index
    %swap3A_66 = vector.load %arg1[%swap3A_64, %swap3A_65] : memref<24x2048xf32, #tpu.memory_space<vmem>>, vector<6x2048xf32>
    tpu.vector_store %arg1[%swap3A_64, %swap3A_65], %broadcast_in_dim3A_63 {strides = array<i32>} : memref<24x2048xf32, #tpu.memory_space<vmem>>, vector<6x2048xf32>,
    %swap3A_67 = arith.constant 16 : index
    %swap3A_68 = arith.constant 0 : index
    %swap3A_69 = vector.load %arg1[%swap3A_67, %swap3A_68] : memref<24x2048xf32, #tpu.memory_space<vmem>>, vector<1x2048xf32>
    tpu.vector_store %arg1[%swap3A_67, %swap3A_68], %select_n3A {strides = array<i32>} : memref<24x2048xf32, #tpu.memory_space<vmem>>, vector<1x2048xf32>,
    %swap3A_70 = arith.constant 17 : index
    %swap3A_71 = arith.constant 0 : index
    %swap3A_72 = vector.load %arg1[%swap3A_70, %swap3A_71] : memref<24x2048xf32, #tpu.memory_space<vmem>>, vector<1x2048xf32>
    tpu.vector_store %arg1[%swap3A_70, %swap3A_71], %select_n3A_50 {strides = array<i32>} : memref<24x2048xf32, #tpu.memory_space<vmem>>, vector<1x2048xf32>,
    %broadcast_in_dim3A_73 = arith.constant 0.000000e+00 : f32
    %broadcast_in_dim3A_74 = vector.broadcast %broadcast_in_dim3A_73 : f32 to vector<6x2048xf32>
    %swap3A_75 = arith.constant 18 : index
    %swap3A_76 = arith.constant 0 : index
    %swap3A_77 = vector.load %arg1[%swap3A_75, %swap3A_76] : memref<24x2048xf32, #tpu.memory_space<vmem>>, vector<6x2048xf32>
    tpu.vector_store %arg1[%swap3A_75, %swap3A_76], %broadcast_in_dim3A_74 {strides = array<i32>} : memref<24x2048xf32, #tpu.memory_space<vmem>>, vector<6x2048xf32>,
    return
  }
}

module attributes {stable_mosaic.version = 14 : i64} {
  func.func @_tc_comp_body(%arg0: i32, %arg1: memref<32x16xi32, #tpu.memory_space<smem>>, %arg2: memref<3xf32, #tpu.memory_space<smem>>, %arg3: memref<1x1024x16xf32, #tpu.memory_space<vmem>>, %arg4: memref<3x8x128xf32, #tpu.memory_space<vmem>>, %arg5: memref<8x128xf32, #tpu.memory_space<vmem>>, %arg6: memref<8x128xf32, #tpu.memory_space<vmem>>, %arg7: memref<8x128xf32, #tpu.memory_space<vmem>>, %arg8: memref<8x128xf32, #tpu.memory_space<vmem>>) attributes {dimension_semantics = [#tpu.dimension_semantics<arbitrary>], iteration_bounds = array<i64: 32>, scalar_prefetch = 0 : i64, scratch_operands = 4 : i64, tpu.core_type = #tpu.core_type<tc>, window_params = [{transform_indices = @transform_0, window_bounds = array<i64: 32, 16>}, {transform_indices = @transform_1, window_bounds = array<i64: 3>}, {transform_indices = @transform_2, window_bounds = array<i64: 1, 1024, 16>}, {transform_indices = @transform_3, window_bounds = array<i64: 3, 8, 128>}]} {
    %jit3A = arith.constant 2 : i32
    %div3A = arith.divsi %arg0, %jit3A : i32
    %sign3A = arith.constant 0 : i32
    %sign3A_0 = arith.cmpi sgt, %arg0, %sign3A : i32
    %sign3A_1 = arith.extui %sign3A_0 : i1 to i32
    %sign3A_2 = arith.constant 0 : i32
    %sign3A_3 = arith.cmpi slt, %arg0, %sign3A_2 : i32
    %sign3A_4 = arith.extui %sign3A_3 : i1 to i32
    %sign3A_5 = arith.subi %sign3A_1, %sign3A_4 : i32
    %sign3A_6 = arith.constant 0 : i32
    %sign3A_7 = arith.cmpi sgt, %jit3A, %sign3A_6 : i32
    %sign3A_8 = arith.extui %sign3A_7 : i1 to i32
    %sign3A_9 = arith.constant 0 : i32
    %sign3A_10 = arith.cmpi slt, %jit3A, %sign3A_9 : i32
    %sign3A_11 = arith.extui %sign3A_10 : i1 to i32
    %sign3A_12 = arith.subi %sign3A_8, %sign3A_11 : i32
    %ne3A = arith.cmpi ne, %sign3A_5, %sign3A_12 : i32
    %rem3A = arith.remsi %arg0, %jit3A : i32
    %ne3A_13 = arith.constant 0 : i32
    %ne3A_14 = arith.cmpi ne, %rem3A, %ne3A_13 : i32
    %and3A = arith.andi %ne3A, %ne3A_14 : i1
    %sub3A = arith.constant 1 : i32
    %sub3A_15 = arith.subi %div3A, %sub3A : i32
    %select_n3A = arith.select %and3A, %sub3A_15, %div3A : i32
    %rem3A_16 = arith.constant 2 : i32
    %rem3A_17 = arith.remsi %arg0, %rem3A_16 : i32
    %eq3A = arith.constant 0 : i32
    %eq3A_18 = arith.cmpi eq, %rem3A_17, %eq3A : i32
    %convert_element_type3A = arith.extui %eq3A_18 : i1 to i32
    %cond3A = arith.constant 0 : i32
    %cond3A_19 = arith.cmpi ne, %convert_element_type3A, %cond3A : i32
    scf.if %cond3A_19 {
      %broadcast_in_dim3A = arith.constant 0.000000e+00 : f32
      %broadcast_in_dim3A_53 = vector.broadcast %broadcast_in_dim3A : f32 to vector<8x128xf32>
      %swap3A = arith.constant 0 : index
      %swap3A_54 = arith.constant 0 : index
      %swap3A_55 = vector.load %arg5[%swap3A, %swap3A_54] : memref<8x128xf32, #tpu.memory_space<vmem>>, vector<8x128xf32>
      tpu.vector_store %arg5[%swap3A, %swap3A_54], %broadcast_in_dim3A_53 {strides = array<i32>} : memref<8x128xf32, #tpu.memory_space<vmem>>, vector<8x128xf32>,
      %broadcast_in_dim3A_56 = arith.constant 0.000000e+00 : f32
      %broadcast_in_dim3A_57 = vector.broadcast %broadcast_in_dim3A_56 : f32 to vector<8x128xf32>
      %swap3A_58 = arith.constant 0 : index
      %swap3A_59 = arith.constant 0 : index
      %swap3A_60 = vector.load %arg6[%swap3A_58, %swap3A_59] : memref<8x128xf32, #tpu.memory_space<vmem>>, vector<8x128xf32>
      tpu.vector_store %arg6[%swap3A_58, %swap3A_59], %broadcast_in_dim3A_57 {strides = array<i32>} : memref<8x128xf32, #tpu.memory_space<vmem>>, vector<8x128xf32>,
      %broadcast_in_dim3A_61 = arith.constant 0.000000e+00 : f32
      %broadcast_in_dim3A_62 = vector.broadcast %broadcast_in_dim3A_61 : f32 to vector<8x128xf32>
      %swap3A_63 = arith.constant 0 : index
      %swap3A_64 = arith.constant 0 : index
      %swap3A_65 = vector.load %arg7[%swap3A_63, %swap3A_64] : memref<8x128xf32, #tpu.memory_space<vmem>>, vector<8x128xf32>
      tpu.vector_store %arg7[%swap3A_63, %swap3A_64], %broadcast_in_dim3A_62 {strides = array<i32>} : memref<8x128xf32, #tpu.memory_space<vmem>>, vector<8x128xf32>,
      %broadcast_in_dim3A_66 = arith.constant 1.000000e+00 : f32
      %broadcast_in_dim3A_67 = vector.broadcast %broadcast_in_dim3A_66 : f32 to vector<8x128xf32>
      %swap3A_68 = arith.constant 0 : index
      %swap3A_69 = arith.constant 0 : index
      %swap3A_70 = vector.load %arg8[%swap3A_68, %swap3A_69] : memref<8x128xf32, #tpu.memory_space<vmem>>, vector<8x128xf32>
      tpu.vector_store %arg8[%swap3A_68, %swap3A_69], %broadcast_in_dim3A_67 {strides = array<i32>} : memref<8x128xf32, #tpu.memory_space<vmem>>, vector<8x128xf32>,
    } else {
    }
    %get3A = arith.index_cast %arg0 : i32 to index
    %get3A_20 = arith.constant 0 : index
    %get3A_21 = memref.load %arg1[%get3A, %get3A_20] : memref<32x16xi32, #tpu.memory_space<smem>>
    %add3A = arith.constant 15 : i32
    %add3A_22 = arith.addi %get3A_21, %add3A : i32
    %div3A_23 = arith.constant 16 : i32
    %div3A_24 = arith.divsi %add3A_22, %div3A_23 : i32
    %iota3A = tpu.iota {dimensions = array<i32: 2>} : vector<1x1x128xi32>
    %convert_element_type3A_25 = arith.sitofp %iota3A : vector<1x1x128xi32> to vector<1x1x128xf32>
    %add3A_26 = arith.constant 5.000000e-01 : f32
    %add3A_27 = vector.broadcast %add3A_26 : f32 to vector<1x1x128xf32>
    %add3A_28 = arith.addf %convert_element_type3A_25, %add3A_27 : vector<1x1x128xf32>
    %iota3A_29 = tpu.iota {dimensions = array<i32: 1>} : vector<1x8x1xi32>
    %mul3A = arith.constant 8 : i32
    %mul3A_30 = arith.muli %select_n3A, %mul3A : i32
    %add3A_31 = vector.broadcast %mul3A_30 : i32 to vector<1x8x1xi32>
    %add3A_32 = arith.addi %iota3A_29, %add3A_31 : vector<1x8x1xi32>
    %convert_element_type3A_33 = arith.sitofp %add3A_32 : vector<1x8x1xi32> to vector<1x8x1xf32>
    %add3A_34 = arith.constant 5.000000e-01 : f32
    %add3A_35 = vector.broadcast %add3A_34 : f32 to vector<1x8x1xf32>
    %add3A_36 = arith.addf %convert_element_type3A_33, %add3A_35 : vector<1x8x1xf32>
    %while3A = arith.constant 0 : i32
    %while3A_37 = arith.constant 0 : i32
    %while3A_38 = arith.subi %div3A_24, %while3A : i32
    %while3A_39 = arith.addi %while3A, %while3A_38 : i32
    %while3A_40 = arith.constant 1 : i32
    %while3A_41 = arith.divsi %while3A_38, %while3A_40 : i32
    %while3A_42 = arith.muli %while3A_41, %while3A_40 : i32
    %while3A_43 = arith.addi %while3A, %while3A_42 : i32
    %while3A_44 = arith.constant 1 : i32
    %while3A_45 = scf.for %while3A_53 = %while3A to %while3A_43 step %while3A_44 iter_args(%while3A_54 = %while3A_37) -> (i32)  : i32 {
      %get3A_55 = arith.constant 0 : index
      %get3A_56 = arith.constant 0 : index
      %get3A_57 = vector.load %arg8[%get3A_55, %get3A_56] : memref<8x128xf32, #tpu.memory_space<vmem>>, vector<8x128xf32>
      %mul3A_58 = arith.constant 16 : i32
      %mul3A_59 = arith.muli %while3A_53, %mul3A_58 : i32
      %get3A_60 = arith.constant 0 : index
      %get3A_61 = arith.index_cast %mul3A_59 : i32 to index
      %get3A_62 = arith.constant 0 : index
      %get3A_63 = vector.load %arg3[%get3A_60, %get3A_61, %get3A_62] : memref<1x1024x16xf32, #tpu.memory_space<vmem>>, vector<1x16x16xf32>
      %get3A_64 = vector.shape_cast %get3A_63 : vector<1x16x16xf32> to vector<16x16xf32>
      %slice3A = vector.extract_strided_slice %get3A_64 {offsets = [0, 0], sizes = [16, 1], strides = [1, 1]} : vector<16x16xf32> to vector<16x1xf32>
      %broadcast_in_dim3A = vector.shape_cast %slice3A : vector<16x1xf32> to vector<16x1x1xf32>
      %slice3A_65 = vector.extract_strided_slice %get3A_64 {offsets = [0, 1], sizes = [16, 1], strides = [1, 1]} : vector<16x16xf32> to vector<16x1xf32>
      %broadcast_in_dim3A_66 = vector.shape_cast %slice3A_65 : vector<16x1xf32> to vector<16x1x1xf32>
      %slice3A_67 = vector.extract_strided_slice %get3A_64 {offsets = [0, 2], sizes = [16, 1], strides = [1, 1]} : vector<16x16xf32> to vector<16x1xf32>
      %broadcast_in_dim3A_68 = vector.shape_cast %slice3A_67 : vector<16x1xf32> to vector<16x1x1xf32>
      %slice3A_69 = vector.extract_strided_slice %get3A_64 {offsets = [0, 3], sizes = [16, 1], strides = [1, 1]} : vector<16x16xf32> to vector<16x1xf32>
      %broadcast_in_dim3A_70 = vector.shape_cast %slice3A_69 : vector<16x1xf32> to vector<16x1x1xf32>
      %slice3A_71 = vector.extract_strided_slice %get3A_64 {offsets = [0, 4], sizes = [16, 1], strides = [1, 1]} : vector<16x16xf32> to vector<16x1xf32>
      %broadcast_in_dim3A_72 = vector.shape_cast %slice3A_71 : vector<16x1xf32> to vector<16x1x1xf32>
      %slice3A_73 = vector.extract_strided_slice %get3A_64 {offsets = [0, 5], sizes = [16, 1], strides = [1, 1]} : vector<16x16xf32> to vector<16x1xf32>
      %broadcast_in_dim3A_74 = vector.shape_cast %slice3A_73 : vector<16x1xf32> to vector<16x1x1xf32>
      %slice3A_75 = vector.extract_strided_slice %get3A_64 {offsets = [0, 9], sizes = [16, 1], strides = [1, 1]} : vector<16x16xf32> to vector<16x1xf32>
      %broadcast_in_dim3A_76 = vector.shape_cast %slice3A_75 : vector<16x1xf32> to vector<16x1x1xf32>
      %sub3A_77 = vector.broadcast %add3A_28 : vector<1x1x128xf32> to vector<16x1x128xf32>
      %sub3A_78 = vector.broadcast %broadcast_in_dim3A : vector<16x1x1xf32> to vector<16x1x128xf32>
      %sub3A_79 = arith.subf %sub3A_77, %sub3A_78 : vector<16x1x128xf32>
      %sub3A_80 = vector.broadcast %add3A_36 : vector<1x8x1xf32> to vector<16x8x1xf32>
      %sub3A_81 = vector.broadcast %broadcast_in_dim3A_66 : vector<16x1x1xf32> to vector<16x8x1xf32>
      %sub3A_82 = arith.subf %sub3A_80, %sub3A_81 : vector<16x8x1xf32>
      %mul3A_83 = arith.mulf %sub3A_79, %sub3A_79 : vector<16x1x128xf32>
      %mul3A_84 = vector.broadcast %broadcast_in_dim3A_68 : vector<16x1x1xf32> to vector<16x1x128xf32>
      %mul3A_85 = arith.mulf %mul3A_84, %mul3A_83 : vector<16x1x128xf32>
      %mul3A_86 = arith.constant 2.000000e+00 : f32
      %mul3A_87 = vector.broadcast %mul3A_86 : f32 to vector<16x1x1xf32>
      %mul3A_88 = arith.mulf %mul3A_87, %broadcast_in_dim3A_70 : vector<16x1x1xf32>
      %mul3A_89 = vector.broadcast %sub3A_79 : vector<16x1x128xf32> to vector<16x8x128xf32>
      %mul3A_90 = vector.broadcast %sub3A_82 : vector<16x8x1xf32> to vector<16x8x128xf32>
      %mul3A_91 = arith.mulf %mul3A_89, %mul3A_90 : vector<16x8x128xf32>
      %mul3A_92 = vector.broadcast %mul3A_88 : vector<16x1x1xf32> to vector<16x8x128xf32>
      %mul3A_93 = arith.mulf %mul3A_92, %mul3A_91 : vector<16x8x128xf32>
      %add3A_94 = vector.broadcast %mul3A_85 : vector<16x1x128xf32> to vector<16x8x128xf32>
      %add3A_95 = arith.addf %add3A_94, %mul3A_93 : vector<16x8x128xf32>
      %mul3A_96 = arith.mulf %sub3A_82, %sub3A_82 : vector<16x8x1xf32>
      %mul3A_97 = vector.broadcast %broadcast_in_dim3A_72 : vector<16x1x1xf32> to vector<16x8x1xf32>
      %mul3A_98 = arith.mulf %mul3A_97, %mul3A_96 : vector<16x8x1xf32>
      %add3A_99 = vector.broadcast %mul3A_98 : vector<16x8x1xf32> to vector<16x8x128xf32>
      %add3A_100 = arith.addf %add3A_95, %add3A_99 : vector<16x8x128xf32>
      %le3A = vector.broadcast %broadcast_in_dim3A_76 : vector<16x1x1xf32> to vector<16x8x128xf32>
      %le3A_101 = arith.cmpf ole, %add3A_100, %le3A : vector<16x8x128xf32>
      %mul3A_102 = arith.constant -5.000000e-01 : f32
      %mul3A_103 = vector.broadcast %mul3A_102 : f32 to vector<16x8x128xf32>
      %mul3A_104 = arith.mulf %mul3A_103, %add3A_100 : vector<16x8x128xf32>
      %exp3A = math.exp %mul3A_104 : vector<16x8x128xf32>
      %mul3A_105 = vector.broadcast %broadcast_in_dim3A_74 : vector<16x1x1xf32> to vector<16x8x128xf32>
      %mul3A_106 = arith.mulf %mul3A_105, %exp3A : vector<16x8x128xf32>
      %jit3A_107 = arith.constant 0.000000e+00 : f32
      %broadcast_in_dim3A_108 = vector.broadcast %jit3A_107 : f32 to vector<16x8x128xf32>
      %select_n3A_109 = arith.select %le3A_101, %mul3A_106, %broadcast_in_dim3A_108 : vector<16x8x128xi1>, vector<16x8x128xf32>
      %min3A = arith.constant 9.900000e-01 : f32
      %min3A_110 = vector.broadcast %min3A : f32 to vector<16x8x128xf32>
      %min3A_111 = arith.minimumf %select_n3A_109, %min3A_110 : vector<16x8x128xf32>
      %slice3A_112 = vector.extract_strided_slice %get3A_64 {offsets = [0, 6], sizes = [16, 1], strides = [1, 1]} : vector<16x16xf32> to vector<16x1xf32>
      %broadcast_in_dim3A_113 = vector.shape_cast %slice3A_112 : vector<16x1xf32> to vector<16x1x1xf32>
      %slice3A_114 = vector.extract_strided_slice %get3A_64 {offsets = [0, 7], sizes = [16, 1], strides = [1, 1]} : vector<16x16xf32> to vector<16x1xf32>
      %broadcast_in_dim3A_115 = vector.shape_cast %slice3A_114 : vector<16x1xf32> to vector<16x1x1xf32>
      %slice3A_116 = vector.extract_strided_slice %get3A_64 {offsets = [0, 8], sizes = [16, 1], strides = [1, 1]} : vector<16x16xf32> to vector<16x1xf32>
      %broadcast_in_dim3A_117 = vector.shape_cast %slice3A_116 : vector<16x1xf32> to vector<16x1x1xf32>
      %slice3A_118 = vector.extract_strided_slice %min3A_111 {offsets = [0, 0, 0], sizes = [1, 8, 128], strides = [1, 1, 1]} : vector<16x8x128xf32> to vector<1x8x128xf32>
      %squeeze3A = vector.shape_cast %slice3A_118 : vector<1x8x128xf32> to vector<8x128xf32>
      %mul3A_119 = arith.mulf %get3A_57, %squeeze3A : vector<8x128xf32>
      %sub3A_120 = arith.constant 1.000000e+00 : f32
      %sub3A_121 = vector.broadcast %sub3A_120 : f32 to vector<8x128xf32>
      %sub3A_122 = arith.subf %sub3A_121, %squeeze3A : vector<8x128xf32>
      %mul3A_123 = arith.mulf %get3A_57, %sub3A_122 : vector<8x128xf32>
      %slice3A_124 = vector.extract_strided_slice %min3A_111 {offsets = [1, 0, 0], sizes = [1, 8, 128], strides = [1, 1, 1]} : vector<16x8x128xf32> to vector<1x8x128xf32>
      %squeeze3A_125 = vector.shape_cast %slice3A_124 : vector<1x8x128xf32> to vector<8x128xf32>
      %mul3A_126 = arith.mulf %mul3A_123, %squeeze3A_125 : vector<8x128xf32>
      %sub3A_127 = arith.constant 1.000000e+00 : f32
      %sub3A_128 = vector.broadcast %sub3A_127 : f32 to vector<8x128xf32>
      %sub3A_129 = arith.subf %sub3A_128, %squeeze3A_125 : vector<8x128xf32>
      %mul3A_130 = arith.mulf %mul3A_123, %sub3A_129 : vector<8x128xf32>
      %slice3A_131 = vector.extract_strided_slice %min3A_111 {offsets = [2, 0, 0], sizes = [1, 8, 128], strides = [1, 1, 1]} : vector<16x8x128xf32> to vector<1x8x128xf32>
      %squeeze3A_132 = vector.shape_cast %slice3A_131 : vector<1x8x128xf32> to vector<8x128xf32>
      %mul3A_133 = arith.mulf %mul3A_130, %squeeze3A_132 : vector<8x128xf32>
      %sub3A_134 = arith.constant 1.000000e+00 : f32
      %sub3A_135 = vector.broadcast %sub3A_134 : f32 to vector<8x128xf32>
      %sub3A_136 = arith.subf %sub3A_135, %squeeze3A_132 : vector<8x128xf32>
      %mul3A_137 = arith.mulf %mul3A_130, %sub3A_136 : vector<8x128xf32>
      %slice3A_138 = vector.extract_strided_slice %min3A_111 {offsets = [3, 0, 0], sizes = [1, 8, 128], strides = [1, 1, 1]} : vector<16x8x128xf32> to vector<1x8x128xf32>
      %squeeze3A_139 = vector.shape_cast %slice3A_138 : vector<1x8x128xf32> to vector<8x128xf32>
      %mul3A_140 = arith.mulf %mul3A_137, %squeeze3A_139 : vector<8x128xf32>
      %sub3A_141 = arith.constant 1.000000e+00 : f32
      %sub3A_142 = vector.broadcast %sub3A_141 : f32 to vector<8x128xf32>
      %sub3A_143 = arith.subf %sub3A_142, %squeeze3A_139 : vector<8x128xf32>
      %mul3A_144 = arith.mulf %mul3A_137, %sub3A_143 : vector<8x128xf32>
      %slice3A_145 = vector.extract_strided_slice %min3A_111 {offsets = [4, 0, 0], sizes = [1, 8, 128], strides = [1, 1, 1]} : vector<16x8x128xf32> to vector<1x8x128xf32>
      %squeeze3A_146 = vector.shape_cast %slice3A_145 : vector<1x8x128xf32> to vector<8x128xf32>
      %mul3A_147 = arith.mulf %mul3A_144, %squeeze3A_146 : vector<8x128xf32>
      %sub3A_148 = arith.constant 1.000000e+00 : f32
      %sub3A_149 = vector.broadcast %sub3A_148 : f32 to vector<8x128xf32>
      %sub3A_150 = arith.subf %sub3A_149, %squeeze3A_146 : vector<8x128xf32>
      %mul3A_151 = arith.mulf %mul3A_144, %sub3A_150 : vector<8x128xf32>
      %slice3A_152 = vector.extract_strided_slice %min3A_111 {offsets = [5, 0, 0], sizes = [1, 8, 128], strides = [1, 1, 1]} : vector<16x8x128xf32> to vector<1x8x128xf32>
      %squeeze3A_153 = vector.shape_cast %slice3A_152 : vector<1x8x128xf32> to vector<8x128xf32>
      %mul3A_154 = arith.mulf %mul3A_151, %squeeze3A_153 : vector<8x128xf32>
      %sub3A_155 = arith.constant 1.000000e+00 : f32
      %sub3A_156 = vector.broadcast %sub3A_155 : f32 to vector<8x128xf32>
      %sub3A_157 = arith.subf %sub3A_156, %squeeze3A_153 : vector<8x128xf32>
      %mul3A_158 = arith.mulf %mul3A_151, %sub3A_157 : vector<8x128xf32>
      %slice3A_159 = vector.extract_strided_slice %min3A_111 {offsets = [6, 0, 0], sizes = [1, 8, 128], strides = [1, 1, 1]} : vector<16x8x128xf32> to vector<1x8x128xf32>
      %squeeze3A_160 = vector.shape_cast %slice3A_159 : vector<1x8x128xf32> to vector<8x128xf32>
      %mul3A_161 = arith.mulf %mul3A_158, %squeeze3A_160 : vector<8x128xf32>
      %sub3A_162 = arith.constant 1.000000e+00 : f32
      %sub3A_163 = vector.broadcast %sub3A_162 : f32 to vector<8x128xf32>
      %sub3A_164 = arith.subf %sub3A_163, %squeeze3A_160 : vector<8x128xf32>
      %mul3A_165 = arith.mulf %mul3A_158, %sub3A_164 : vector<8x128xf32>
      %slice3A_166 = vector.extract_strided_slice %min3A_111 {offsets = [7, 0, 0], sizes = [1, 8, 128], strides = [1, 1, 1]} : vector<16x8x128xf32> to vector<1x8x128xf32>
      %squeeze3A_167 = vector.shape_cast %slice3A_166 : vector<1x8x128xf32> to vector<8x128xf32>
      %mul3A_168 = arith.mulf %mul3A_165, %squeeze3A_167 : vector<8x128xf32>
      %sub3A_169 = arith.constant 1.000000e+00 : f32
      %sub3A_170 = vector.broadcast %sub3A_169 : f32 to vector<8x128xf32>
      %sub3A_171 = arith.subf %sub3A_170, %squeeze3A_167 : vector<8x128xf32>
      %mul3A_172 = arith.mulf %mul3A_165, %sub3A_171 : vector<8x128xf32>
      %slice3A_173 = vector.extract_strided_slice %min3A_111 {offsets = [8, 0, 0], sizes = [1, 8, 128], strides = [1, 1, 1]} : vector<16x8x128xf32> to vector<1x8x128xf32>
      %squeeze3A_174 = vector.shape_cast %slice3A_173 : vector<1x8x128xf32> to vector<8x128xf32>
      %mul3A_175 = arith.mulf %mul3A_172, %squeeze3A_174 : vector<8x128xf32>
      %sub3A_176 = arith.constant 1.000000e+00 : f32
      %sub3A_177 = vector.broadcast %sub3A_176 : f32 to vector<8x128xf32>
      %sub3A_178 = arith.subf %sub3A_177, %squeeze3A_174 : vector<8x128xf32>
      %mul3A_179 = arith.mulf %mul3A_172, %sub3A_178 : vector<8x128xf32>
      %slice3A_180 = vector.extract_strided_slice %min3A_111 {offsets = [9, 0, 0], sizes = [1, 8, 128], strides = [1, 1, 1]} : vector<16x8x128xf32> to vector<1x8x128xf32>
      %squeeze3A_181 = vector.shape_cast %slice3A_180 : vector<1x8x128xf32> to vector<8x128xf32>
      %mul3A_182 = arith.mulf %mul3A_179, %squeeze3A_181 : vector<8x128xf32>
      %sub3A_183 = arith.constant 1.000000e+00 : f32
      %sub3A_184 = vector.broadcast %sub3A_183 : f32 to vector<8x128xf32>
      %sub3A_185 = arith.subf %sub3A_184, %squeeze3A_181 : vector<8x128xf32>
      %mul3A_186 = arith.mulf %mul3A_179, %sub3A_185 : vector<8x128xf32>
      %slice3A_187 = vector.extract_strided_slice %min3A_111 {offsets = [10, 0, 0], sizes = [1, 8, 128], strides = [1, 1, 1]} : vector<16x8x128xf32> to vector<1x8x128xf32>
      %squeeze3A_188 = vector.shape_cast %slice3A_187 : vector<1x8x128xf32> to vector<8x128xf32>
      %mul3A_189 = arith.mulf %mul3A_186, %squeeze3A_188 : vector<8x128xf32>
      %sub3A_190 = arith.constant 1.000000e+00 : f32
      %sub3A_191 = vector.broadcast %sub3A_190 : f32 to vector<8x128xf32>
      %sub3A_192 = arith.subf %sub3A_191, %squeeze3A_188 : vector<8x128xf32>
      %mul3A_193 = arith.mulf %mul3A_186, %sub3A_192 : vector<8x128xf32>
      %slice3A_194 = vector.extract_strided_slice %min3A_111 {offsets = [11, 0, 0], sizes = [1, 8, 128], strides = [1, 1, 1]} : vector<16x8x128xf32> to vector<1x8x128xf32>
      %squeeze3A_195 = vector.shape_cast %slice3A_194 : vector<1x8x128xf32> to vector<8x128xf32>
      %mul3A_196 = arith.mulf %mul3A_193, %squeeze3A_195 : vector<8x128xf32>
      %sub3A_197 = arith.constant 1.000000e+00 : f32
      %sub3A_198 = vector.broadcast %sub3A_197 : f32 to vector<8x128xf32>
      %sub3A_199 = arith.subf %sub3A_198, %squeeze3A_195 : vector<8x128xf32>
      %mul3A_200 = arith.mulf %mul3A_193, %sub3A_199 : vector<8x128xf32>
      %slice3A_201 = vector.extract_strided_slice %min3A_111 {offsets = [12, 0, 0], sizes = [1, 8, 128], strides = [1, 1, 1]} : vector<16x8x128xf32> to vector<1x8x128xf32>
      %squeeze3A_202 = vector.shape_cast %slice3A_201 : vector<1x8x128xf32> to vector<8x128xf32>
      %mul3A_203 = arith.mulf %mul3A_200, %squeeze3A_202 : vector<8x128xf32>
      %sub3A_204 = arith.constant 1.000000e+00 : f32
      %sub3A_205 = vector.broadcast %sub3A_204 : f32 to vector<8x128xf32>
      %sub3A_206 = arith.subf %sub3A_205, %squeeze3A_202 : vector<8x128xf32>
      %mul3A_207 = arith.mulf %mul3A_200, %sub3A_206 : vector<8x128xf32>
      %slice3A_208 = vector.extract_strided_slice %min3A_111 {offsets = [13, 0, 0], sizes = [1, 8, 128], strides = [1, 1, 1]} : vector<16x8x128xf32> to vector<1x8x128xf32>
      %squeeze3A_209 = vector.shape_cast %slice3A_208 : vector<1x8x128xf32> to vector<8x128xf32>
      %mul3A_210 = arith.mulf %mul3A_207, %squeeze3A_209 : vector<8x128xf32>
      %sub3A_211 = arith.constant 1.000000e+00 : f32
      %sub3A_212 = vector.broadcast %sub3A_211 : f32 to vector<8x128xf32>
      %sub3A_213 = arith.subf %sub3A_212, %squeeze3A_209 : vector<8x128xf32>
      %mul3A_214 = arith.mulf %mul3A_207, %sub3A_213 : vector<8x128xf32>
      %slice3A_215 = vector.extract_strided_slice %min3A_111 {offsets = [14, 0, 0], sizes = [1, 8, 128], strides = [1, 1, 1]} : vector<16x8x128xf32> to vector<1x8x128xf32>
      %squeeze3A_216 = vector.shape_cast %slice3A_215 : vector<1x8x128xf32> to vector<8x128xf32>
      %mul3A_217 = arith.mulf %mul3A_214, %squeeze3A_216 : vector<8x128xf32>
      %sub3A_218 = arith.constant 1.000000e+00 : f32
      %sub3A_219 = vector.broadcast %sub3A_218 : f32 to vector<8x128xf32>
      %sub3A_220 = arith.subf %sub3A_219, %squeeze3A_216 : vector<8x128xf32>
      %mul3A_221 = arith.mulf %mul3A_214, %sub3A_220 : vector<8x128xf32>
      %slice3A_222 = vector.extract_strided_slice %min3A_111 {offsets = [15, 0, 0], sizes = [1, 8, 128], strides = [1, 1, 1]} : vector<16x8x128xf32> to vector<1x8x128xf32>
      %squeeze3A_223 = vector.shape_cast %slice3A_222 : vector<1x8x128xf32> to vector<8x128xf32>
      %mul3A_224 = arith.mulf %mul3A_221, %squeeze3A_223 : vector<8x128xf32>
      %sub3A_225 = arith.constant 1.000000e+00 : f32
      %sub3A_226 = vector.broadcast %sub3A_225 : f32 to vector<8x128xf32>
      %sub3A_227 = arith.subf %sub3A_226, %squeeze3A_223 : vector<8x128xf32>
      %mul3A_228 = arith.mulf %mul3A_221, %sub3A_227 : vector<8x128xf32>
      %stack3A = vector.shape_cast %mul3A_119 : vector<8x128xf32> to vector<1x8x128xf32>
      %stack3A_229 = vector.shape_cast %mul3A_126 : vector<8x128xf32> to vector<1x8x128xf32>
      %stack3A_230 = vector.shape_cast %mul3A_133 : vector<8x128xf32> to vector<1x8x128xf32>
      %stack3A_231 = vector.shape_cast %mul3A_140 : vector<8x128xf32> to vector<1x8x128xf32>
      %stack3A_232 = vector.shape_cast %mul3A_147 : vector<8x128xf32> to vector<1x8x128xf32>
      %stack3A_233 = vector.shape_cast %mul3A_154 : vector<8x128xf32> to vector<1x8x128xf32>
      %stack3A_234 = vector.shape_cast %mul3A_161 : vector<8x128xf32> to vector<1x8x128xf32>
      %stack3A_235 = vector.shape_cast %mul3A_168 : vector<8x128xf32> to vector<1x8x128xf32>
      %stack3A_236 = vector.shape_cast %mul3A_175 : vector<8x128xf32> to vector<1x8x128xf32>
      %stack3A_237 = vector.shape_cast %mul3A_182 : vector<8x128xf32> to vector<1x8x128xf32>
      %stack3A_238 = vector.shape_cast %mul3A_189 : vector<8x128xf32> to vector<1x8x128xf32>
      %stack3A_239 = vector.shape_cast %mul3A_196 : vector<8x128xf32> to vector<1x8x128xf32>
      %stack3A_240 = vector.shape_cast %mul3A_203 : vector<8x128xf32> to vector<1x8x128xf32>
      %stack3A_241 = vector.shape_cast %mul3A_210 : vector<8x128xf32> to vector<1x8x128xf32>
      %stack3A_242 = vector.shape_cast %mul3A_217 : vector<8x128xf32> to vector<1x8x128xf32>
      %stack3A_243 = vector.shape_cast %mul3A_224 : vector<8x128xf32> to vector<1x8x128xf32>
      %stack3A_244 = tpu.concatenate %stack3A, %stack3A_229, %stack3A_230, %stack3A_231, %stack3A_232, %stack3A_233, %stack3A_234, %stack3A_235, %stack3A_236, %stack3A_237, %stack3A_238, %stack3A_239, %stack3A_240, %stack3A_241, %stack3A_242, %stack3A_243 in 0 : vector<1x8x128xf32>, vector<1x8x128xf32>, vector<1x8x128xf32>, vector<1x8x128xf32>, vector<1x8x128xf32>, vector<1x8x128xf32>, vector<1x8x128xf32>, vector<1x8x128xf32>, vector<1x8x128xf32>, vector<1x8x128xf32>, vector<1x8x128xf32>, vector<1x8x128xf32>, vector<1x8x128xf32>, vector<1x8x128xf32>, vector<1x8x128xf32>, vector<1x8x128xf32> -> vector<16x8x128xf32>
      %get3A_245 = arith.constant 0 : index
      %get3A_246 = arith.constant 0 : index
      %get3A_247 = vector.load %arg5[%get3A_245, %get3A_246] : memref<8x128xf32, #tpu.memory_space<vmem>>, vector<8x128xf32>
      %mul3A_248 = vector.broadcast %broadcast_in_dim3A_113 : vector<16x1x1xf32> to vector<16x8x128xf32>
      %mul3A_249 = arith.mulf %stack3A_244, %mul3A_248 : vector<16x8x128xf32>
      %reduce_sum3A = arith.constant dense<0.000000e+00> : vector<8x128xf32>
      %reduce_sum3A_250 = vector.multi_reduction <add>, %mul3A_249, %reduce_sum3A [0] : vector<16x8x128xf32> to vector<8x128xf32>
      %add3A_251 = arith.addf %get3A_247, %reduce_sum3A_250 : vector<8x128xf32>
      %swap3A = arith.constant 0 : index
      %swap3A_252 = arith.constant 0 : index
      %swap3A_253 = vector.load %arg5[%swap3A, %swap3A_252] : memref<8x128xf32, #tpu.memory_space<vmem>>, vector<8x128xf32>
      tpu.vector_store %arg5[%swap3A, %swap3A_252], %add3A_251 {strides = array<i32>} : memref<8x128xf32, #tpu.memory_space<vmem>>, vector<8x128xf32>,
      %get3A_254 = arith.constant 0 : index
      %get3A_255 = arith.constant 0 : index
      %get3A_256 = vector.load %arg6[%get3A_254, %get3A_255] : memref<8x128xf32, #tpu.memory_space<vmem>>, vector<8x128xf32>
      %mul3A_257 = vector.broadcast %broadcast_in_dim3A_115 : vector<16x1x1xf32> to vector<16x8x128xf32>
      %mul3A_258 = arith.mulf %stack3A_244, %mul3A_257 : vector<16x8x128xf32>
      %reduce_sum3A_259 = arith.constant dense<0.000000e+00> : vector<8x128xf32>
      %reduce_sum3A_260 = vector.multi_reduction <add>, %mul3A_258, %reduce_sum3A_259 [0] : vector<16x8x128xf32> to vector<8x128xf32>
      %add3A_261 = arith.addf %get3A_256, %reduce_sum3A_260 : vector<8x128xf32>
      %swap3A_262 = arith.constant 0 : index
      %swap3A_263 = arith.constant 0 : index
      %swap3A_264 = vector.load %arg6[%swap3A_262, %swap3A_263] : memref<8x128xf32, #tpu.memory_space<vmem>>, vector<8x128xf32>
      tpu.vector_store %arg6[%swap3A_262, %swap3A_263], %add3A_261 {strides = array<i32>} : memref<8x128xf32, #tpu.memory_space<vmem>>, vector<8x128xf32>,
      %get3A_265 = arith.constant 0 : index
      %get3A_266 = arith.constant 0 : index
      %get3A_267 = vector.load %arg7[%get3A_265, %get3A_266] : memref<8x128xf32, #tpu.memory_space<vmem>>, vector<8x128xf32>
      %mul3A_268 = vector.broadcast %broadcast_in_dim3A_117 : vector<16x1x1xf32> to vector<16x8x128xf32>
      %mul3A_269 = arith.mulf %stack3A_244, %mul3A_268 : vector<16x8x128xf32>
      %reduce_sum3A_270 = arith.constant dense<0.000000e+00> : vector<8x128xf32>
      %reduce_sum3A_271 = vector.multi_reduction <add>, %mul3A_269, %reduce_sum3A_270 [0] : vector<16x8x128xf32> to vector<8x128xf32>
      %add3A_272 = arith.addf %get3A_267, %reduce_sum3A_271 : vector<8x128xf32>
      %swap3A_273 = arith.constant 0 : index
      %swap3A_274 = arith.constant 0 : index
      %swap3A_275 = vector.load %arg7[%swap3A_273, %swap3A_274] : memref<8x128xf32, #tpu.memory_space<vmem>>, vector<8x128xf32>
      tpu.vector_store %arg7[%swap3A_273, %swap3A_274], %add3A_272 {strides = array<i32>} : memref<8x128xf32, #tpu.memory_space<vmem>>, vector<8x128xf32>,
      %swap3A_276 = arith.constant 0 : index
      %swap3A_277 = arith.constant 0 : index
      %swap3A_278 = vector.load %arg8[%swap3A_276, %swap3A_277] : memref<8x128xf32, #tpu.memory_space<vmem>>, vector<8x128xf32>
      tpu.vector_store %arg8[%swap3A_276, %swap3A_277], %mul3A_228 {strides = array<i32>} : memref<8x128xf32, #tpu.memory_space<vmem>>, vector<8x128xf32>,
      %while3A_279 = arith.constant 0 : i32
      scf.yield %while3A_279 : i32
    }
    %while3A_46 = arith.constant 1 : i32
    %while3A_47 = scf.for %while3A_53 = %while3A_43 to %while3A_39 step %while3A_46 iter_args(%while3A_54 = %while3A_45) -> (i32)  : i32 {
      %get3A_55 = arith.constant 0 : index
      %get3A_56 = arith.constant 0 : index
      %get3A_57 = vector.load %arg8[%get3A_55, %get3A_56] : memref<8x128xf32, #tpu.memory_space<vmem>>, vector<8x128xf32>
      %mul3A_58 = arith.constant 16 : i32
      %mul3A_59 = arith.muli %while3A_53, %mul3A_58 : i32
      %get3A_60 = arith.constant 0 : index
      %get3A_61 = arith.index_cast %mul3A_59 : i32 to index
      %get3A_62 = arith.constant 0 : index
      %get3A_63 = vector.load %arg3[%get3A_60, %get3A_61, %get3A_62] : memref<1x1024x16xf32, #tpu.memory_space<vmem>>, vector<1x16x16xf32>
      %get3A_64 = vector.shape_cast %get3A_63 : vector<1x16x16xf32> to vector<16x16xf32>
      %slice3A = vector.extract_strided_slice %get3A_64 {offsets = [0, 0], sizes = [16, 1], strides = [1, 1]} : vector<16x16xf32> to vector<16x1xf32>
      %broadcast_in_dim3A = vector.shape_cast %slice3A : vector<16x1xf32> to vector<16x1x1xf32>
      %slice3A_65 = vector.extract_strided_slice %get3A_64 {offsets = [0, 1], sizes = [16, 1], strides = [1, 1]} : vector<16x16xf32> to vector<16x1xf32>
      %broadcast_in_dim3A_66 = vector.shape_cast %slice3A_65 : vector<16x1xf32> to vector<16x1x1xf32>
      %slice3A_67 = vector.extract_strided_slice %get3A_64 {offsets = [0, 2], sizes = [16, 1], strides = [1, 1]} : vector<16x16xf32> to vector<16x1xf32>
      %broadcast_in_dim3A_68 = vector.shape_cast %slice3A_67 : vector<16x1xf32> to vector<16x1x1xf32>
      %slice3A_69 = vector.extract_strided_slice %get3A_64 {offsets = [0, 3], sizes = [16, 1], strides = [1, 1]} : vector<16x16xf32> to vector<16x1xf32>
      %broadcast_in_dim3A_70 = vector.shape_cast %slice3A_69 : vector<16x1xf32> to vector<16x1x1xf32>
      %slice3A_71 = vector.extract_strided_slice %get3A_64 {offsets = [0, 4], sizes = [16, 1], strides = [1, 1]} : vector<16x16xf32> to vector<16x1xf32>
      %broadcast_in_dim3A_72 = vector.shape_cast %slice3A_71 : vector<16x1xf32> to vector<16x1x1xf32>
      %slice3A_73 = vector.extract_strided_slice %get3A_64 {offsets = [0, 5], sizes = [16, 1], strides = [1, 1]} : vector<16x16xf32> to vector<16x1xf32>
      %broadcast_in_dim3A_74 = vector.shape_cast %slice3A_73 : vector<16x1xf32> to vector<16x1x1xf32>
      %slice3A_75 = vector.extract_strided_slice %get3A_64 {offsets = [0, 9], sizes = [16, 1], strides = [1, 1]} : vector<16x16xf32> to vector<16x1xf32>
      %broadcast_in_dim3A_76 = vector.shape_cast %slice3A_75 : vector<16x1xf32> to vector<16x1x1xf32>
      %sub3A_77 = vector.broadcast %add3A_28 : vector<1x1x128xf32> to vector<16x1x128xf32>
      %sub3A_78 = vector.broadcast %broadcast_in_dim3A : vector<16x1x1xf32> to vector<16x1x128xf32>
      %sub3A_79 = arith.subf %sub3A_77, %sub3A_78 : vector<16x1x128xf32>
      %sub3A_80 = vector.broadcast %add3A_36 : vector<1x8x1xf32> to vector<16x8x1xf32>
      %sub3A_81 = vector.broadcast %broadcast_in_dim3A_66 : vector<16x1x1xf32> to vector<16x8x1xf32>
      %sub3A_82 = arith.subf %sub3A_80, %sub3A_81 : vector<16x8x1xf32>
      %mul3A_83 = arith.mulf %sub3A_79, %sub3A_79 : vector<16x1x128xf32>
      %mul3A_84 = vector.broadcast %broadcast_in_dim3A_68 : vector<16x1x1xf32> to vector<16x1x128xf32>
      %mul3A_85 = arith.mulf %mul3A_84, %mul3A_83 : vector<16x1x128xf32>
      %mul3A_86 = arith.constant 2.000000e+00 : f32
      %mul3A_87 = vector.broadcast %mul3A_86 : f32 to vector<16x1x1xf32>
      %mul3A_88 = arith.mulf %mul3A_87, %broadcast_in_dim3A_70 : vector<16x1x1xf32>
      %mul3A_89 = vector.broadcast %sub3A_79 : vector<16x1x128xf32> to vector<16x8x128xf32>
      %mul3A_90 = vector.broadcast %sub3A_82 : vector<16x8x1xf32> to vector<16x8x128xf32>
      %mul3A_91 = arith.mulf %mul3A_89, %mul3A_90 : vector<16x8x128xf32>
      %mul3A_92 = vector.broadcast %mul3A_88 : vector<16x1x1xf32> to vector<16x8x128xf32>
      %mul3A_93 = arith.mulf %mul3A_92, %mul3A_91 : vector<16x8x128xf32>
      %add3A_94 = vector.broadcast %mul3A_85 : vector<16x1x128xf32> to vector<16x8x128xf32>
      %add3A_95 = arith.addf %add3A_94, %mul3A_93 : vector<16x8x128xf32>
      %mul3A_96 = arith.mulf %sub3A_82, %sub3A_82 : vector<16x8x1xf32>
      %mul3A_97 = vector.broadcast %broadcast_in_dim3A_72 : vector<16x1x1xf32> to vector<16x8x1xf32>
      %mul3A_98 = arith.mulf %mul3A_97, %mul3A_96 : vector<16x8x1xf32>
      %add3A_99 = vector.broadcast %mul3A_98 : vector<16x8x1xf32> to vector<16x8x128xf32>
      %add3A_100 = arith.addf %add3A_95, %add3A_99 : vector<16x8x128xf32>
      %le3A = vector.broadcast %broadcast_in_dim3A_76 : vector<16x1x1xf32> to vector<16x8x128xf32>
      %le3A_101 = arith.cmpf ole, %add3A_100, %le3A : vector<16x8x128xf32>
      %mul3A_102 = arith.constant -5.000000e-01 : f32
      %mul3A_103 = vector.broadcast %mul3A_102 : f32 to vector<16x8x128xf32>
      %mul3A_104 = arith.mulf %mul3A_103, %add3A_100 : vector<16x8x128xf32>
      %exp3A = math.exp %mul3A_104 : vector<16x8x128xf32>
      %mul3A_105 = vector.broadcast %broadcast_in_dim3A_74 : vector<16x1x1xf32> to vector<16x8x128xf32>
      %mul3A_106 = arith.mulf %mul3A_105, %exp3A : vector<16x8x128xf32>
      %jit3A_107 = arith.constant 0.000000e+00 : f32
      %broadcast_in_dim3A_108 = vector.broadcast %jit3A_107 : f32 to vector<16x8x128xf32>
      %select_n3A_109 = arith.select %le3A_101, %mul3A_106, %broadcast_in_dim3A_108 : vector<16x8x128xi1>, vector<16x8x128xf32>
      %min3A = arith.constant 9.900000e-01 : f32
      %min3A_110 = vector.broadcast %min3A : f32 to vector<16x8x128xf32>
      %min3A_111 = arith.minimumf %select_n3A_109, %min3A_110 : vector<16x8x128xf32>
      %slice3A_112 = vector.extract_strided_slice %get3A_64 {offsets = [0, 6], sizes = [16, 1], strides = [1, 1]} : vector<16x16xf32> to vector<16x1xf32>
      %broadcast_in_dim3A_113 = vector.shape_cast %slice3A_112 : vector<16x1xf32> to vector<16x1x1xf32>
      %slice3A_114 = vector.extract_strided_slice %get3A_64 {offsets = [0, 7], sizes = [16, 1], strides = [1, 1]} : vector<16x16xf32> to vector<16x1xf32>
      %broadcast_in_dim3A_115 = vector.shape_cast %slice3A_114 : vector<16x1xf32> to vector<16x1x1xf32>
      %slice3A_116 = vector.extract_strided_slice %get3A_64 {offsets = [0, 8], sizes = [16, 1], strides = [1, 1]} : vector<16x16xf32> to vector<16x1xf32>
      %broadcast_in_dim3A_117 = vector.shape_cast %slice3A_116 : vector<16x1xf32> to vector<16x1x1xf32>
      %slice3A_118 = vector.extract_strided_slice %min3A_111 {offsets = [0, 0, 0], sizes = [1, 8, 128], strides = [1, 1, 1]} : vector<16x8x128xf32> to vector<1x8x128xf32>
      %squeeze3A = vector.shape_cast %slice3A_118 : vector<1x8x128xf32> to vector<8x128xf32>
      %mul3A_119 = arith.mulf %get3A_57, %squeeze3A : vector<8x128xf32>
      %sub3A_120 = arith.constant 1.000000e+00 : f32
      %sub3A_121 = vector.broadcast %sub3A_120 : f32 to vector<8x128xf32>
      %sub3A_122 = arith.subf %sub3A_121, %squeeze3A : vector<8x128xf32>
      %mul3A_123 = arith.mulf %get3A_57, %sub3A_122 : vector<8x128xf32>
      %slice3A_124 = vector.extract_strided_slice %min3A_111 {offsets = [1, 0, 0], sizes = [1, 8, 128], strides = [1, 1, 1]} : vector<16x8x128xf32> to vector<1x8x128xf32>
      %squeeze3A_125 = vector.shape_cast %slice3A_124 : vector<1x8x128xf32> to vector<8x128xf32>
      %mul3A_126 = arith.mulf %mul3A_123, %squeeze3A_125 : vector<8x128xf32>
      %sub3A_127 = arith.constant 1.000000e+00 : f32
      %sub3A_128 = vector.broadcast %sub3A_127 : f32 to vector<8x128xf32>
      %sub3A_129 = arith.subf %sub3A_128, %squeeze3A_125 : vector<8x128xf32>
      %mul3A_130 = arith.mulf %mul3A_123, %sub3A_129 : vector<8x128xf32>
      %slice3A_131 = vector.extract_strided_slice %min3A_111 {offsets = [2, 0, 0], sizes = [1, 8, 128], strides = [1, 1, 1]} : vector<16x8x128xf32> to vector<1x8x128xf32>
      %squeeze3A_132 = vector.shape_cast %slice3A_131 : vector<1x8x128xf32> to vector<8x128xf32>
      %mul3A_133 = arith.mulf %mul3A_130, %squeeze3A_132 : vector<8x128xf32>
      %sub3A_134 = arith.constant 1.000000e+00 : f32
      %sub3A_135 = vector.broadcast %sub3A_134 : f32 to vector<8x128xf32>
      %sub3A_136 = arith.subf %sub3A_135, %squeeze3A_132 : vector<8x128xf32>
      %mul3A_137 = arith.mulf %mul3A_130, %sub3A_136 : vector<8x128xf32>
      %slice3A_138 = vector.extract_strided_slice %min3A_111 {offsets = [3, 0, 0], sizes = [1, 8, 128], strides = [1, 1, 1]} : vector<16x8x128xf32> to vector<1x8x128xf32>
      %squeeze3A_139 = vector.shape_cast %slice3A_138 : vector<1x8x128xf32> to vector<8x128xf32>
      %mul3A_140 = arith.mulf %mul3A_137, %squeeze3A_139 : vector<8x128xf32>
      %sub3A_141 = arith.constant 1.000000e+00 : f32
      %sub3A_142 = vector.broadcast %sub3A_141 : f32 to vector<8x128xf32>
      %sub3A_143 = arith.subf %sub3A_142, %squeeze3A_139 : vector<8x128xf32>
      %mul3A_144 = arith.mulf %mul3A_137, %sub3A_143 : vector<8x128xf32>
      %slice3A_145 = vector.extract_strided_slice %min3A_111 {offsets = [4, 0, 0], sizes = [1, 8, 128], strides = [1, 1, 1]} : vector<16x8x128xf32> to vector<1x8x128xf32>
      %squeeze3A_146 = vector.shape_cast %slice3A_145 : vector<1x8x128xf32> to vector<8x128xf32>
      %mul3A_147 = arith.mulf %mul3A_144, %squeeze3A_146 : vector<8x128xf32>
      %sub3A_148 = arith.constant 1.000000e+00 : f32
      %sub3A_149 = vector.broadcast %sub3A_148 : f32 to vector<8x128xf32>
      %sub3A_150 = arith.subf %sub3A_149, %squeeze3A_146 : vector<8x128xf32>
      %mul3A_151 = arith.mulf %mul3A_144, %sub3A_150 : vector<8x128xf32>
      %slice3A_152 = vector.extract_strided_slice %min3A_111 {offsets = [5, 0, 0], sizes = [1, 8, 128], strides = [1, 1, 1]} : vector<16x8x128xf32> to vector<1x8x128xf32>
      %squeeze3A_153 = vector.shape_cast %slice3A_152 : vector<1x8x128xf32> to vector<8x128xf32>
      %mul3A_154 = arith.mulf %mul3A_151, %squeeze3A_153 : vector<8x128xf32>
      %sub3A_155 = arith.constant 1.000000e+00 : f32
      %sub3A_156 = vector.broadcast %sub3A_155 : f32 to vector<8x128xf32>
      %sub3A_157 = arith.subf %sub3A_156, %squeeze3A_153 : vector<8x128xf32>
      %mul3A_158 = arith.mulf %mul3A_151, %sub3A_157 : vector<8x128xf32>
      %slice3A_159 = vector.extract_strided_slice %min3A_111 {offsets = [6, 0, 0], sizes = [1, 8, 128], strides = [1, 1, 1]} : vector<16x8x128xf32> to vector<1x8x128xf32>
      %squeeze3A_160 = vector.shape_cast %slice3A_159 : vector<1x8x128xf32> to vector<8x128xf32>
      %mul3A_161 = arith.mulf %mul3A_158, %squeeze3A_160 : vector<8x128xf32>
      %sub3A_162 = arith.constant 1.000000e+00 : f32
      %sub3A_163 = vector.broadcast %sub3A_162 : f32 to vector<8x128xf32>
      %sub3A_164 = arith.subf %sub3A_163, %squeeze3A_160 : vector<8x128xf32>
      %mul3A_165 = arith.mulf %mul3A_158, %sub3A_164 : vector<8x128xf32>
      %slice3A_166 = vector.extract_strided_slice %min3A_111 {offsets = [7, 0, 0], sizes = [1, 8, 128], strides = [1, 1, 1]} : vector<16x8x128xf32> to vector<1x8x128xf32>
      %squeeze3A_167 = vector.shape_cast %slice3A_166 : vector<1x8x128xf32> to vector<8x128xf32>
      %mul3A_168 = arith.mulf %mul3A_165, %squeeze3A_167 : vector<8x128xf32>
      %sub3A_169 = arith.constant 1.000000e+00 : f32
      %sub3A_170 = vector.broadcast %sub3A_169 : f32 to vector<8x128xf32>
      %sub3A_171 = arith.subf %sub3A_170, %squeeze3A_167 : vector<8x128xf32>
      %mul3A_172 = arith.mulf %mul3A_165, %sub3A_171 : vector<8x128xf32>
      %slice3A_173 = vector.extract_strided_slice %min3A_111 {offsets = [8, 0, 0], sizes = [1, 8, 128], strides = [1, 1, 1]} : vector<16x8x128xf32> to vector<1x8x128xf32>
      %squeeze3A_174 = vector.shape_cast %slice3A_173 : vector<1x8x128xf32> to vector<8x128xf32>
      %mul3A_175 = arith.mulf %mul3A_172, %squeeze3A_174 : vector<8x128xf32>
      %sub3A_176 = arith.constant 1.000000e+00 : f32
      %sub3A_177 = vector.broadcast %sub3A_176 : f32 to vector<8x128xf32>
      %sub3A_178 = arith.subf %sub3A_177, %squeeze3A_174 : vector<8x128xf32>
      %mul3A_179 = arith.mulf %mul3A_172, %sub3A_178 : vector<8x128xf32>
      %slice3A_180 = vector.extract_strided_slice %min3A_111 {offsets = [9, 0, 0], sizes = [1, 8, 128], strides = [1, 1, 1]} : vector<16x8x128xf32> to vector<1x8x128xf32>
      %squeeze3A_181 = vector.shape_cast %slice3A_180 : vector<1x8x128xf32> to vector<8x128xf32>
      %mul3A_182 = arith.mulf %mul3A_179, %squeeze3A_181 : vector<8x128xf32>
      %sub3A_183 = arith.constant 1.000000e+00 : f32
      %sub3A_184 = vector.broadcast %sub3A_183 : f32 to vector<8x128xf32>
      %sub3A_185 = arith.subf %sub3A_184, %squeeze3A_181 : vector<8x128xf32>
      %mul3A_186 = arith.mulf %mul3A_179, %sub3A_185 : vector<8x128xf32>
      %slice3A_187 = vector.extract_strided_slice %min3A_111 {offsets = [10, 0, 0], sizes = [1, 8, 128], strides = [1, 1, 1]} : vector<16x8x128xf32> to vector<1x8x128xf32>
      %squeeze3A_188 = vector.shape_cast %slice3A_187 : vector<1x8x128xf32> to vector<8x128xf32>
      %mul3A_189 = arith.mulf %mul3A_186, %squeeze3A_188 : vector<8x128xf32>
      %sub3A_190 = arith.constant 1.000000e+00 : f32
      %sub3A_191 = vector.broadcast %sub3A_190 : f32 to vector<8x128xf32>
      %sub3A_192 = arith.subf %sub3A_191, %squeeze3A_188 : vector<8x128xf32>
      %mul3A_193 = arith.mulf %mul3A_186, %sub3A_192 : vector<8x128xf32>
      %slice3A_194 = vector.extract_strided_slice %min3A_111 {offsets = [11, 0, 0], sizes = [1, 8, 128], strides = [1, 1, 1]} : vector<16x8x128xf32> to vector<1x8x128xf32>
      %squeeze3A_195 = vector.shape_cast %slice3A_194 : vector<1x8x128xf32> to vector<8x128xf32>
      %mul3A_196 = arith.mulf %mul3A_193, %squeeze3A_195 : vector<8x128xf32>
      %sub3A_197 = arith.constant 1.000000e+00 : f32
      %sub3A_198 = vector.broadcast %sub3A_197 : f32 to vector<8x128xf32>
      %sub3A_199 = arith.subf %sub3A_198, %squeeze3A_195 : vector<8x128xf32>
      %mul3A_200 = arith.mulf %mul3A_193, %sub3A_199 : vector<8x128xf32>
      %slice3A_201 = vector.extract_strided_slice %min3A_111 {offsets = [12, 0, 0], sizes = [1, 8, 128], strides = [1, 1, 1]} : vector<16x8x128xf32> to vector<1x8x128xf32>
      %squeeze3A_202 = vector.shape_cast %slice3A_201 : vector<1x8x128xf32> to vector<8x128xf32>
      %mul3A_203 = arith.mulf %mul3A_200, %squeeze3A_202 : vector<8x128xf32>
      %sub3A_204 = arith.constant 1.000000e+00 : f32
      %sub3A_205 = vector.broadcast %sub3A_204 : f32 to vector<8x128xf32>
      %sub3A_206 = arith.subf %sub3A_205, %squeeze3A_202 : vector<8x128xf32>
      %mul3A_207 = arith.mulf %mul3A_200, %sub3A_206 : vector<8x128xf32>
      %slice3A_208 = vector.extract_strided_slice %min3A_111 {offsets = [13, 0, 0], sizes = [1, 8, 128], strides = [1, 1, 1]} : vector<16x8x128xf32> to vector<1x8x128xf32>
      %squeeze3A_209 = vector.shape_cast %slice3A_208 : vector<1x8x128xf32> to vector<8x128xf32>
      %mul3A_210 = arith.mulf %mul3A_207, %squeeze3A_209 : vector<8x128xf32>
      %sub3A_211 = arith.constant 1.000000e+00 : f32
      %sub3A_212 = vector.broadcast %sub3A_211 : f32 to vector<8x128xf32>
      %sub3A_213 = arith.subf %sub3A_212, %squeeze3A_209 : vector<8x128xf32>
      %mul3A_214 = arith.mulf %mul3A_207, %sub3A_213 : vector<8x128xf32>
      %slice3A_215 = vector.extract_strided_slice %min3A_111 {offsets = [14, 0, 0], sizes = [1, 8, 128], strides = [1, 1, 1]} : vector<16x8x128xf32> to vector<1x8x128xf32>
      %squeeze3A_216 = vector.shape_cast %slice3A_215 : vector<1x8x128xf32> to vector<8x128xf32>
      %mul3A_217 = arith.mulf %mul3A_214, %squeeze3A_216 : vector<8x128xf32>
      %sub3A_218 = arith.constant 1.000000e+00 : f32
      %sub3A_219 = vector.broadcast %sub3A_218 : f32 to vector<8x128xf32>
      %sub3A_220 = arith.subf %sub3A_219, %squeeze3A_216 : vector<8x128xf32>
      %mul3A_221 = arith.mulf %mul3A_214, %sub3A_220 : vector<8x128xf32>
      %slice3A_222 = vector.extract_strided_slice %min3A_111 {offsets = [15, 0, 0], sizes = [1, 8, 128], strides = [1, 1, 1]} : vector<16x8x128xf32> to vector<1x8x128xf32>
      %squeeze3A_223 = vector.shape_cast %slice3A_222 : vector<1x8x128xf32> to vector<8x128xf32>
      %mul3A_224 = arith.mulf %mul3A_221, %squeeze3A_223 : vector<8x128xf32>
      %sub3A_225 = arith.constant 1.000000e+00 : f32
      %sub3A_226 = vector.broadcast %sub3A_225 : f32 to vector<8x128xf32>
      %sub3A_227 = arith.subf %sub3A_226, %squeeze3A_223 : vector<8x128xf32>
      %mul3A_228 = arith.mulf %mul3A_221, %sub3A_227 : vector<8x128xf32>
      %stack3A = vector.shape_cast %mul3A_119 : vector<8x128xf32> to vector<1x8x128xf32>
      %stack3A_229 = vector.shape_cast %mul3A_126 : vector<8x128xf32> to vector<1x8x128xf32>
      %stack3A_230 = vector.shape_cast %mul3A_133 : vector<8x128xf32> to vector<1x8x128xf32>
      %stack3A_231 = vector.shape_cast %mul3A_140 : vector<8x128xf32> to vector<1x8x128xf32>
      %stack3A_232 = vector.shape_cast %mul3A_147 : vector<8x128xf32> to vector<1x8x128xf32>
      %stack3A_233 = vector.shape_cast %mul3A_154 : vector<8x128xf32> to vector<1x8x128xf32>
      %stack3A_234 = vector.shape_cast %mul3A_161 : vector<8x128xf32> to vector<1x8x128xf32>
      %stack3A_235 = vector.shape_cast %mul3A_168 : vector<8x128xf32> to vector<1x8x128xf32>
      %stack3A_236 = vector.shape_cast %mul3A_175 : vector<8x128xf32> to vector<1x8x128xf32>
      %stack3A_237 = vector.shape_cast %mul3A_182 : vector<8x128xf32> to vector<1x8x128xf32>
      %stack3A_238 = vector.shape_cast %mul3A_189 : vector<8x128xf32> to vector<1x8x128xf32>
      %stack3A_239 = vector.shape_cast %mul3A_196 : vector<8x128xf32> to vector<1x8x128xf32>
      %stack3A_240 = vector.shape_cast %mul3A_203 : vector<8x128xf32> to vector<1x8x128xf32>
      %stack3A_241 = vector.shape_cast %mul3A_210 : vector<8x128xf32> to vector<1x8x128xf32>
      %stack3A_242 = vector.shape_cast %mul3A_217 : vector<8x128xf32> to vector<1x8x128xf32>
      %stack3A_243 = vector.shape_cast %mul3A_224 : vector<8x128xf32> to vector<1x8x128xf32>
      %stack3A_244 = tpu.concatenate %stack3A, %stack3A_229, %stack3A_230, %stack3A_231, %stack3A_232, %stack3A_233, %stack3A_234, %stack3A_235, %stack3A_236, %stack3A_237, %stack3A_238, %stack3A_239, %stack3A_240, %stack3A_241, %stack3A_242, %stack3A_243 in 0 : vector<1x8x128xf32>, vector<1x8x128xf32>, vector<1x8x128xf32>, vector<1x8x128xf32>, vector<1x8x128xf32>, vector<1x8x128xf32>, vector<1x8x128xf32>, vector<1x8x128xf32>, vector<1x8x128xf32>, vector<1x8x128xf32>, vector<1x8x128xf32>, vector<1x8x128xf32>, vector<1x8x128xf32>, vector<1x8x128xf32>, vector<1x8x128xf32>, vector<1x8x128xf32> -> vector<16x8x128xf32>
      %get3A_245 = arith.constant 0 : index
      %get3A_246 = arith.constant 0 : index
      %get3A_247 = vector.load %arg5[%get3A_245, %get3A_246] : memref<8x128xf32, #tpu.memory_space<vmem>>, vector<8x128xf32>
      %mul3A_248 = vector.broadcast %broadcast_in_dim3A_113 : vector<16x1x1xf32> to vector<16x8x128xf32>
      %mul3A_249 = arith.mulf %stack3A_244, %mul3A_248 : vector<16x8x128xf32>
      %reduce_sum3A = arith.constant dense<0.000000e+00> : vector<8x128xf32>
      %reduce_sum3A_250 = vector.multi_reduction <add>, %mul3A_249, %reduce_sum3A [0] : vector<16x8x128xf32> to vector<8x128xf32>
      %add3A_251 = arith.addf %get3A_247, %reduce_sum3A_250 : vector<8x128xf32>
      %swap3A = arith.constant 0 : index
      %swap3A_252 = arith.constant 0 : index
      %swap3A_253 = vector.load %arg5[%swap3A, %swap3A_252] : memref<8x128xf32, #tpu.memory_space<vmem>>, vector<8x128xf32>
      tpu.vector_store %arg5[%swap3A, %swap3A_252], %add3A_251 {strides = array<i32>} : memref<8x128xf32, #tpu.memory_space<vmem>>, vector<8x128xf32>,
      %get3A_254 = arith.constant 0 : index
      %get3A_255 = arith.constant 0 : index
      %get3A_256 = vector.load %arg6[%get3A_254, %get3A_255] : memref<8x128xf32, #tpu.memory_space<vmem>>, vector<8x128xf32>
      %mul3A_257 = vector.broadcast %broadcast_in_dim3A_115 : vector<16x1x1xf32> to vector<16x8x128xf32>
      %mul3A_258 = arith.mulf %stack3A_244, %mul3A_257 : vector<16x8x128xf32>
      %reduce_sum3A_259 = arith.constant dense<0.000000e+00> : vector<8x128xf32>
      %reduce_sum3A_260 = vector.multi_reduction <add>, %mul3A_258, %reduce_sum3A_259 [0] : vector<16x8x128xf32> to vector<8x128xf32>
      %add3A_261 = arith.addf %get3A_256, %reduce_sum3A_260 : vector<8x128xf32>
      %swap3A_262 = arith.constant 0 : index
      %swap3A_263 = arith.constant 0 : index
      %swap3A_264 = vector.load %arg6[%swap3A_262, %swap3A_263] : memref<8x128xf32, #tpu.memory_space<vmem>>, vector<8x128xf32>
      tpu.vector_store %arg6[%swap3A_262, %swap3A_263], %add3A_261 {strides = array<i32>} : memref<8x128xf32, #tpu.memory_space<vmem>>, vector<8x128xf32>,
      %get3A_265 = arith.constant 0 : index
      %get3A_266 = arith.constant 0 : index
      %get3A_267 = vector.load %arg7[%get3A_265, %get3A_266] : memref<8x128xf32, #tpu.memory_space<vmem>>, vector<8x128xf32>
      %mul3A_268 = vector.broadcast %broadcast_in_dim3A_117 : vector<16x1x1xf32> to vector<16x8x128xf32>
      %mul3A_269 = arith.mulf %stack3A_244, %mul3A_268 : vector<16x8x128xf32>
      %reduce_sum3A_270 = arith.constant dense<0.000000e+00> : vector<8x128xf32>
      %reduce_sum3A_271 = vector.multi_reduction <add>, %mul3A_269, %reduce_sum3A_270 [0] : vector<16x8x128xf32> to vector<8x128xf32>
      %add3A_272 = arith.addf %get3A_267, %reduce_sum3A_271 : vector<8x128xf32>
      %swap3A_273 = arith.constant 0 : index
      %swap3A_274 = arith.constant 0 : index
      %swap3A_275 = vector.load %arg7[%swap3A_273, %swap3A_274] : memref<8x128xf32, #tpu.memory_space<vmem>>, vector<8x128xf32>
      tpu.vector_store %arg7[%swap3A_273, %swap3A_274], %add3A_272 {strides = array<i32>} : memref<8x128xf32, #tpu.memory_space<vmem>>, vector<8x128xf32>,
      %swap3A_276 = arith.constant 0 : index
      %swap3A_277 = arith.constant 0 : index
      %swap3A_278 = vector.load %arg8[%swap3A_276, %swap3A_277] : memref<8x128xf32, #tpu.memory_space<vmem>>, vector<8x128xf32>
      tpu.vector_store %arg8[%swap3A_276, %swap3A_277], %mul3A_228 {strides = array<i32>} : memref<8x128xf32, #tpu.memory_space<vmem>>, vector<8x128xf32>,
      %while3A_279 = arith.constant 0 : i32
      scf.yield %while3A_279 : i32
    }
    %eq3A_48 = arith.constant 1 : i32
    %eq3A_49 = arith.cmpi eq, %rem3A_17, %eq3A_48 : i32
    %convert_element_type3A_50 = arith.extui %eq3A_49 : i1 to i32
    %cond3A_51 = arith.constant 0 : i32
    %cond3A_52 = arith.cmpi ne, %convert_element_type3A_50, %cond3A_51 : i32
    scf.if %cond3A_52 {
      %get3A_53 = arith.constant 0 : index
      %get3A_54 = arith.constant 0 : index
      %get3A_55 = vector.load %arg8[%get3A_53, %get3A_54] : memref<8x128xf32, #tpu.memory_space<vmem>>, vector<8x128xf32>
      %get3A_56 = arith.constant 0 : index
      %get3A_57 = arith.constant 0 : index
      %get3A_58 = vector.load %arg5[%get3A_56, %get3A_57] : memref<8x128xf32, #tpu.memory_space<vmem>>, vector<8x128xf32>
      %get3A_59 = arith.constant 0 : index
      %get3A_60 = memref.load %arg2[%get3A_59] : memref<3xf32, #tpu.memory_space<smem>>
      %mul3A_61 = vector.broadcast %get3A_60 : f32 to vector<8x128xf32>
      %mul3A_62 = arith.mulf %get3A_55, %mul3A_61 : vector<8x128xf32>
      %add3A_63 = arith.addf %get3A_58, %mul3A_62 : vector<8x128xf32>
      %swap3A = arith.constant 0 : index
      %swap3A_64 = arith.constant 0 : index
      %swap3A_65 = arith.constant 0 : index
      %swap3A_66 = vector.load %arg4[%swap3A, %swap3A_64, %swap3A_65] : memref<3x8x128xf32, #tpu.memory_space<vmem>>, vector<1x8x128xf32>
      %swap3A_67 = vector.shape_cast %swap3A_66 : vector<1x8x128xf32> to vector<8x128xf32>
      %swap3A_68 = vector.shape_cast %add3A_63 : vector<8x128xf32> to vector<1x8x128xf32>
      tpu.vector_store %arg4[%swap3A, %swap3A_64, %swap3A_65], %swap3A_68 {strides = array<i32>} : memref<3x8x128xf32, #tpu.memory_space<vmem>>, vector<1x8x128xf32>,
      %get3A_69 = arith.constant 0 : index
      %get3A_70 = arith.constant 0 : index
      %get3A_71 = vector.load %arg6[%get3A_69, %get3A_70] : memref<8x128xf32, #tpu.memory_space<vmem>>, vector<8x128xf32>
      %get3A_72 = arith.constant 1 : index
      %get3A_73 = memref.load %arg2[%get3A_72] : memref<3xf32, #tpu.memory_space<smem>>
      %mul3A_74 = vector.broadcast %get3A_73 : f32 to vector<8x128xf32>
      %mul3A_75 = arith.mulf %get3A_55, %mul3A_74 : vector<8x128xf32>
      %add3A_76 = arith.addf %get3A_71, %mul3A_75 : vector<8x128xf32>
      %swap3A_77 = arith.constant 1 : index
      %swap3A_78 = arith.constant 0 : index
      %swap3A_79 = arith.constant 0 : index
      %swap3A_80 = vector.load %arg4[%swap3A_77, %swap3A_78, %swap3A_79] : memref<3x8x128xf32, #tpu.memory_space<vmem>>, vector<1x8x128xf32>
      %swap3A_81 = vector.shape_cast %swap3A_80 : vector<1x8x128xf32> to vector<8x128xf32>
      %swap3A_82 = vector.shape_cast %add3A_76 : vector<8x128xf32> to vector<1x8x128xf32>
      tpu.vector_store %arg4[%swap3A_77, %swap3A_78, %swap3A_79], %swap3A_82 {strides = array<i32>} : memref<3x8x128xf32, #tpu.memory_space<vmem>>, vector<1x8x128xf32>,
      %get3A_83 = arith.constant 0 : index
      %get3A_84 = arith.constant 0 : index
      %get3A_85 = vector.load %arg7[%get3A_83, %get3A_84] : memref<8x128xf32, #tpu.memory_space<vmem>>, vector<8x128xf32>
      %get3A_86 = arith.constant 2 : index
      %get3A_87 = memref.load %arg2[%get3A_86] : memref<3xf32, #tpu.memory_space<smem>>
      %mul3A_88 = vector.broadcast %get3A_87 : f32 to vector<8x128xf32>
      %mul3A_89 = arith.mulf %get3A_55, %mul3A_88 : vector<8x128xf32>
      %add3A_90 = arith.addf %get3A_85, %mul3A_89 : vector<8x128xf32>
      %swap3A_91 = arith.constant 2 : index
      %swap3A_92 = arith.constant 0 : index
      %swap3A_93 = arith.constant 0 : index
      %swap3A_94 = vector.load %arg4[%swap3A_91, %swap3A_92, %swap3A_93] : memref<3x8x128xf32, #tpu.memory_space<vmem>>, vector<1x8x128xf32>
      %swap3A_95 = vector.shape_cast %swap3A_94 : vector<1x8x128xf32> to vector<8x128xf32>
      %swap3A_96 = vector.shape_cast %add3A_90 : vector<8x128xf32> to vector<1x8x128xf32>
      tpu.vector_store %arg4[%swap3A_91, %swap3A_92, %swap3A_93], %swap3A_96 {strides = array<i32>} : memref<3x8x128xf32, #tpu.memory_space<vmem>>, vector<1x8x128xf32>,
    } else {
    }
    return
  }
  func.func @transform_0(%arg0: i32) -> (i32, i32) {
    %c0_i32 = arith.constant 0 : i32
    %c0_i32_0 = arith.constant 0 : i32
    %c0_i32_1 = arith.constant 0 : i32
    return %c0_i32, %c0_i32_0 : i32, i32
  }
  func.func @transform_1(%arg0: i32) -> i32 {
    %c0_i32 = arith.constant 0 : i32
    %c0_i32_0 = arith.constant 0 : i32
    return %c0_i32 : i32
  }
  func.func @transform_2(%arg0: i32) -> (i32, i32, i32) {
    %c0_i32 = arith.constant 0 : i32
    %c0_i32_0 = arith.constant 0 : i32
    %c0_i32_1 = arith.constant 0 : i32
    return %arg0, %c0_i32, %c0_i32_0 : i32, i32, i32
  }
  func.func @transform_3(%arg0: i32) -> (i32, i32, i32) {
    %jit3A = arith.constant 2 : i32
    %div3A = arith.divsi %arg0, %jit3A : i32
    %sign3A = arith.constant 0 : i32
    %sign3A_0 = arith.cmpi sgt, %arg0, %sign3A : i32
    %sign3A_1 = arith.extui %sign3A_0 : i1 to i32
    %sign3A_2 = arith.constant 0 : i32
    %sign3A_3 = arith.cmpi slt, %arg0, %sign3A_2 : i32
    %sign3A_4 = arith.extui %sign3A_3 : i1 to i32
    %sign3A_5 = arith.subi %sign3A_1, %sign3A_4 : i32
    %sign3A_6 = arith.constant 0 : i32
    %sign3A_7 = arith.cmpi sgt, %jit3A, %sign3A_6 : i32
    %sign3A_8 = arith.extui %sign3A_7 : i1 to i32
    %sign3A_9 = arith.constant 0 : i32
    %sign3A_10 = arith.cmpi slt, %jit3A, %sign3A_9 : i32
    %sign3A_11 = arith.extui %sign3A_10 : i1 to i32
    %sign3A_12 = arith.subi %sign3A_8, %sign3A_11 : i32
    %ne3A = arith.cmpi ne, %sign3A_5, %sign3A_12 : i32
    %rem3A = arith.remsi %arg0, %jit3A : i32
    %ne3A_13 = arith.constant 0 : i32
    %ne3A_14 = arith.cmpi ne, %rem3A, %ne3A_13 : i32
    %and3A = arith.andi %ne3A, %ne3A_14 : i1
    %sub3A = arith.constant 1 : i32
    %sub3A_15 = arith.subi %div3A, %sub3A : i32
    %select_n3A = arith.select %and3A, %sub3A_15, %div3A : i32
    %c0_i32 = arith.constant 0 : i32
    %c0_i32_16 = arith.constant 0 : i32
    %c0_i32_17 = arith.constant 0 : i32
    return %c0_i32, %select_n3A, %c0_i32_16 : i32, i32, i32
  }
}

</mosaic_0001>

<sc_bundles>
// kernel: gather_offload_async_start
scs
__scs_entry_jumppad:
0x0: {  	(pc) =	sbr.rel $0x88, $3  }
0x1: {  	(tag) =	ssettag $0x0;
	lr =	simm.s32 $0x1  }
0x2: {  	[smem:$0x3F9B] =	sst lr;
	_ =	strace $0xD0000000  }
0x3: {  	_ = 	snop  }
0x4: {  	_ = 	snop  }
0x5: {  	_ = 	snop  }
0x6: {  	_ = 	snop  }
0x7: {  	_ = 	snop  }
__scs_overlays_trampoline_lowered:
0x8: {  	[smem:$0x3FAA] =	sst s0  }
0x9: {  	[smem:$0x3FAB] =	sst s1  }
0xa: {  	[smem:$0x3FAC] =	sst s2  }
0xb: {  	[smem:$0x3FAD] =	sst s3  }
0xc: {  	[smem:$0x3FAE] =	sst s4  }
0xd: {  	[smem:$0x3FAF] =	sst s5  }
0xe: {  	[smem:$0x3FB0] =	sst s6  }
0xf: {  	[smem:$0x3FB1] =	sst s7  }
0x10: {  	[smem:$0x3FB2] =	sst s8  }
0x11: {  	[smem:$0x3FB3] =	sst s9;
	s0 =	simm.s32 @!p0 $0x0  }
0x12: {  	s1 =	sld [smem:$0x3F99];
	s0 =	simm.s32 @p0 $0x1  }
0x13: {  	[smem:$0x3FB4] =	sst s0;
	s0 =	simm.s32 @!p1 $0x0  }
0x14: {  	s2 =	sld [smem:$0x3F98];
	s0 =	simm.s32 @p1 $0x1  }
0x15: {  	[smem:$0x3FB5] =	sst s0;
	s0 =	simm.s32 @!p2 $0x0  }
0x16: {  	s3 =	sld [smem:$0x3FDB];
	s0 =	simm.s32 @p2 $0x1  }
0x17: {  	s4 =	simm.s32 $0x1BF5;
	[smem:$0x3FB7] =	sst s0  }
0x18: {  	s0 =	sld [smem:$0x3F9A];
	_ =	swait.ge [sflag:s4], $0x0  }
0x19: {  	s7 =	sld [smem:$0x3F9B]  }
0x1a: {  	s8 =	sadd.s32 $0xFFFFE003, lr  }
0x1b: {  	s9 =	sadd.s32 $0xFFFFFEF7, lr;
	s5 =	simm.s32 $0xFFFFFFFF;
	p2 =	slt.u32 s8, $0xFFFFF086  }
0x1c: {  	p1 =	slt.u32 s9, $0xF7A;
	s5 =	simm.s32 @!p2 $0x0  }
0x1d: {  	s5 =	simm.s32 @p1 $0x1;
	p0 =	seq.s32 s7, s2  }
0x1e: {  	s7 =	smul.u32 @!p0 $0xF7A, s2;
	p2 =	seq.s32 @!p0 s5, $0x0  }
0x1f: {  	s9 =	smul.u32 $0xF7A, s1;
	s8 =	simm.s32 @!p0 $0x1BF5;
	p2 =	por !p2, p0  }
0x20: {  	[sflag:s8] =	ssyncset.s32 @!p0 $0xFFFFF086;
	s6 =	sadd.s32 @!p0 s3, s7;
	s7 =	simm.s32 @!p0 $0x108  }
0x21: {  	s3 =	sadd.s32 s3, s9;
	s6 =	sadd.s32 @!p0 $0x88, s6;
	s7 =	simm.s32 @p2 $0x1082  }
0x22: {  	[simem:s7], [sflag:s8] =	dma.local @!p0 [hbm:s6], $0xF7A  }
0x23: {  	s9 =	sor.u32 $0xD0000000, s2;
	s6 =	simm.s32 $0x108;
	_ =	swait.ge @!p0 [sflag:s8], $0x0  }
0x24: {  	s3 =	sadd.s32 $0x88, s3;
	s6 =	simm.s32 @!p1 $0x1082;
	[sflag:s4] =	ssyncset.s32 $0xFFFFF086  }
0x25: {  	[simem:s6], [sflag:s4] =	dma.local [hbm:s3], $0xF7A  }
0x26: {  	[smem:$0x3F9B] =	sst s1;
	(tag) =	ssettag s2;
	_ =	strace s9  }
0x27: {  	s1 =	sld [smem:$0x3FAB]  }
0x28: {  	s2 =	sld [smem:$0x3FAC]  }
0x29: {  	s4 =	sld [smem:$0x3FAE]  }
0x2a: {  	p0 =	seq.s32 s5, $0x0;
	s5 =	sld [smem:$0x3FAF]  }
0x2b: {  	s6 =	sld [smem:$0x3FB0]  }
0x2c: {  	s7 =	sld [smem:$0x3FB1]  }
0x2d: {  	s3 =	simm.s32 $0x108;
	s8 =	sld [smem:$0x3FB2]  }
0x2e: {  	s3 =	simm.s32 @!p0 $0x1082;
	s9 =	sld [smem:$0x3FB3]  }
0x2f: {  	lr =	sadd.s32 s0, s3;
	s0 =	sld [smem:$0x3FAA]  }
0x30: {  	s3 =	sld [smem:$0x3FAD]  }
0x31: {  	[smem:$0x3FB6] =	sst s10  }
0x32: {  	s10 =	sld [smem:$0x3FB4];
	_ =	sdelay $0x3  }
0x33: {  	p0 =	seq.s32 s10, $0x1;
	s10 =	sld [smem:$0x3FB6];
	_ =	sdelay $0x3  }
0x34: {  	[smem:$0x3FB6] =	sst s10  }
0x35: {  	s10 =	sld [smem:$0x3FB5];
	_ =	sdelay $0x3  }
0x36: {  	p1 =	seq.s32 s10, $0x1;
	s10 =	sld [smem:$0x3FB6];
	_ =	sdelay $0x3  }
0x37: {  	[smem:$0x3FB6] =	sst s10  }
0x38: {  	s10 =	sld [smem:$0x3FB7]  }
0x39: {  	_ = 	snop;
	(pc) =	sbr.ind lr, $3  }
0x3a: {  	_ = 	snop  }
0x3b: {  	_ = 	snop  }
0x3c: {  	p2 =	seq.s32 s10, $0x1;
	s10 =	sld [smem:$0x3FB6]  }
0x3d: {  	_ =	shalt  }
0x3e: {  	_ =	shalt  }
0x3f: {  	_ =	shalt  }
0x40: {  	_ =	shalt  }
0x41: {  	_ =	shalt  }
0x42: {  	_ =	shalt  }
0x43: {  	_ =	shalt  }
0x44: {  	_ =	shalt  }
0x45: {  	_ =	shalt  }
0x46: {  	_ =	shalt  }
0x47: {  	_ =	shalt  }
0x48: {  	_ =	shalt  }
0x49: {  	_ =	shalt  }
0x4a: {  	_ =	shalt  }
0x4b: {  	_ =	shalt  }
0x4c: {  	_ =	shalt  }
0x4d: {  	_ =	shalt  }
0x4e: {  	_ =	shalt  }
0x4f: {  	_ =	shalt  }
0x50: {  	_ =	shalt  }
0x51: {  	_ =	shalt  }
0x52: {  	_ =	shalt  }
0x53: {  	_ =	shalt  }
0x54: {  	_ =	shalt  }
0x55: {  	_ =	shalt  }
0x56: {  	_ =	shalt  }
0x57: {  	_ =	shalt  }
0x58: {  	_ =	shalt  }
0x59: {  	_ =	shalt  }
0x5a: {  	_ =	shalt  }
0x5b: {  	_ =	shalt  }
0x5c: {  	_ =	shalt  }
0x5d: {  	_ =	shalt  }
0x5e: {  	_ =	shalt  }
0x5f: {  	_ =	shalt  }
0x60: {  	_ =	shalt  }
0x61: {  	_ =	shalt  }
0x62: {  	_ =	shalt  }
0x63: {  	_ =	shalt  }
0x64: {  	_ =	shalt  }
0x65: {  	_ =	shalt  }
0x66: {  	_ =	shalt  }
0x67: {  	_ =	shalt  }
0x68: {  	_ =	shalt  }
0x69: {  	_ =	shalt  }
0x6a: {  	_ =	shalt  }
0x6b: {  	_ =	shalt  }
0x6c: {  	_ =	shalt  }
0x6d: {  	_ =	shalt  }
0x6e: {  	_ =	shalt  }
0x6f: {  	_ =	shalt  }
0x70: {  	_ =	shalt  }
0x71: {  	_ =	shalt  }
0x72: {  	_ =	shalt  }
0x73: {  	_ =	shalt  }
0x74: {  	_ =	shalt  }
0x75: {  	_ =	shalt  }
0x76: {  	_ =	shalt  }
0x77: {  	_ =	shalt  }
0x78: {  	_ =	shalt  }
0x79: {  	_ =	shalt  }
0x7a: {  	_ =	shalt  }
0x7b: {  	_ =	shalt  }
0x7c: {  	_ =	shalt  }
0x7d: {  	_ =	shalt  }
0x7e: {  	_ =	shalt  }
0x7f: {  	_ =	shalt  }
0x80: {  	_ =	shalt  }
0x81: {  	_ =	shalt  }
0x82: {  	_ =	shalt  }
0x83: {  	_ =	shalt  }
0x84: {  	_ =	shalt  }
0x85: {  	_ =	shalt  }
0x86: {  	_ =	shalt  }
0x87: {  	_ =	shalt  }
.Lfunc_end0:
.L_simem_size_0:
called_computation_lowered:
.L_overlay_start_0:
0x88: {  	s2 =	sld [smem:$0x3FD9]  }
0x89: {  	s3 =	sld [smem:$0x3FFE];
	_ =	sdelay $0x1  }
0x8a: {  	s1 =	srdreg.scid  }
0x8b: {  	s0 =	sand.u32 $0x1, s1  }
0x8c: {  	s17 =	sshll.u32 s0, $0xA;
	s2 =	sadd.s32 s3, s2  }
0x8d: {  	s2 =	sadd.s32 s2, s17  }
0x8e: {  	[smem:$0x3FC2] =	sst s2  }
0x8f: {  	_ = 	snop  }
0x90: {  	s2 =	sld [smem:$0x3FD0];
	(tm) =	ssettm $0x1  }
0x91: {  	s18 =	sld [smem:$0x3FFB];
	_ =	sdelay $0x3  }
0x92: {  	_ =	strace s18  }
0x93: {  	s3 =	sld [smem:$0x3FFC];
	_ =	sdelay $0x3  }
0x94: {  	_ =	strace s3  }
0x95: {  	s3 =	sld [smem:$0x3FFD];
	_ =	sdelay $0x3  }
0x96: {  	_ =	strace s3  }
0x97: {  	_ =	strace $0x8FFFFFFF  }
0x98: {  	s19 =	sld [smem:$0x3FDB];
	_ =	sdelay $0x1  }
0x99: {  	s4 =	simm.s32 $_scs_section_size  }
0x9a: {  	s5 =	simm.s32 $_size__tile_overlayer_lowered;
	s6 =	simm.s32 $_tile_overlayer_lowered  }
0x9b: {  	s22 =	simm.s32 $0x1BFF;
	s21 =	sshll.u32 s6, $0x1;
	s3 =	sadd.s32 s4, s19  }
0x9c: {  	s7 =	simm.s32 $0x0;
	s20 =	sshll.u32 s5, $0x1;
	s5 =	sadd.s32 s21, s3  }
0x9d: {  	[timem:s7], [sflag:s22] =	dma.local [hbm:s5], s20  }
0x9e: {  	_ =	swait.ge [sflag:s22], s20  }
0x9f: {  	s4 =	ssub.s32 $0x0, s20;
	[sflag:s22] =	ssyncset.done $0x0  }
0xa0: {  	[sflag:s22] =	ssyncadd.s32 s4;
	_ =	sdelay $0x1  }
0xa1: {  	s23 =	simm.s32 $0x1B8B  }
0xa2: {  	_ =	swait.ge [sflag:s23], $0x1  }
0xa3: {  	[sflag:s23] =	ssyncset.done $0x0  }
0xa4: {  	s25 =	simm.s32 $0x1B8E;
	s24 =	sld [smem:$0x3FFE];
	[sflag:s23] =	ssyncadd.s32 $0xFFFFFFFF  }
0xa5: {  	s26 =	simm.s32 $execute0_lowered;
	[smem:$0x3FD2] =	sst s25  }
0xa6: {  	s5 =	sshll.u32 s26, $0x1;
	_ =	strace $0x80000046;
	[dreg:$0x1] =	wrdreg $0xFFFFFFFF  }
0xa7: {  	s28 =	simm.s32 $_size_execute0_lowered;
	s3 =	sadd.s32 s3, s5;
	[dreg:$0x0] =	wrdreg $0x0  }
0xa8: {  	s5 =	sshll.u32 s28, $0x1;
	[dreg:$0x2] =	wrdreg s3  }
0xa9: {  	[dreg:$0x3] =	wrdreg s5  }
0xaa: {  	[dreg:$0x4] =	wrdreg $0xC0  }
0xab: {  	_ =	task [dreg:s7], $0x5FFFF  }
0xac: {  	[dreg:$0x1] =	wrdreg $0xFFFFFFFF  }
0xad: {  	[dreg:$0x0] =	wrdreg $0x60  }
0xae: {  	[dreg:$0x2] =	wrdreg s24  }
0xaf: {  	[dreg:$0x3] =	wrdreg s2  }
0xb0: {  	[dreg:$0x4] =	wrdreg $0x9  }
0xb1: {  	_ =	task.clear_ibuf [dreg:s7], $0x5FFFF;
	_ =	strace $0x90000046  }
0xb2: {  	s29 =	simm.s32 $0x9;
	_ =	strace $0x80000048  }
0xb3: {  	_ =	swait.ge [sflag:s29], $0x1  }
0xb4: {  	[sflag:s29] =	ssyncadd.s32 $0xFFFFFFFF  }
0xb5: {  	_ =	strace $0x90000048  }
0xb6: {  	_ =	sfence  }
0xb7: {  	s30 =	sld [smem:$0x0];
	_ =	sdelay $0x2  }
0xb8: {  	s31 =	sshll.u32 s1, $0xD;
	s1 =	sshrl.u32 s1, $0x2  }
0xb9: {  	s3 =	sand.u32 $0x4000, s31;
	s1 =	sadd.s32 s1, s30  }
0xba: {  	s0 =	sor.u32 s3, s0;
	s1 =	sshll.u32 s1, $0x11  }
0xbb: {  	s0 =	sor.u32 s1, s0  }
0xbc: {  	s0 =	sadd.s32 $0x8F2B, s0  }
0xbd: {  	[sflag:s0] =	ssyncadd.remote.s32 $0x1  }
0xbe: {  	_ =	sfence.sel $0xFFFF  }
0xbf: {  	[dreg:$0x0] =	wrdreg $0xFFFFFFFF;
	(pc) =	sbr.abs _section_cstart, $3  }
0xc0: {  	[dreg:$0x1] =	wrdreg $0xFFFFFFFF  }
0xc1: {  	_ =	task.clear_ibuf [dreg:s7], $0x2FFFF;
	_ =	strace $0x9FFFFFFF  }
0xc2: {  	(tm) =	ssettm $0x7FFFFFFF  }
0xc3: {  	_ =	shalt  }
tec
execute0_lowered:
.L_overlay_start_1:
0x0: {  	(tag) =	ssettag $0x1  }
0x1: {  	s2 =	rddreg [dreg:$0x0]  }
0x2: {  	s3 =	rddreg [dreg:$0x1]  }
0x3: {  	s0 =	rddreg [dreg:$0x2];
	s1 =	srdreg.scid;
	_ =	strace $0x80000047  }
0x4: {  	s4 =	simm.s32 $0x1;
	s9 =	simm.s32 $0x3;
	s5 =	sshll.u32 s1, $0x4  }
.Ltmp0:
0x5: {  	s1 =	stileid.u32;
	s5 =	sand.u32 $0x10, s5;
	(pc) =	sbr.rel .LBB2_1-.Ltmp0, $4  }
0x6: {  	s12 =	simm.s32 $0x0;
	s10 =	simm.s32 $0x0;
	s6 =	sor.u32 s1, s5  }
0x7: {  	[sflag:s4] =	ssyncpa.u1 $0x0;
	s5 =	simm.s32 $0x2;
	s6 =	sshll.u32 s6, $0x6  }
0x8: {  	s7 =	sadd.s32 $0x8000, s2;
	[sflag:s5] =	ssyncpa.u1 $0x0;
	s8 =	sadd.s32 $0x40, s6  }
0x9: {  	vm0 =	vmmov $0xff;
	vm1 =	vcmask $0x3F20;
	[sflag:s9] =	ssyncpa.u1 $0x0;
	s9 =	simm.s32 $0x40;
	s11 =	smov.u32 s6  }
.LBB2_9:
0xa: {  	p0 =	seq.s32 s10, $0x2  }
.Ltmp1:
0xb: {  	_ = 	snop;
	(pc) =	sbr.rel @p0 .LBB2_11-.Ltmp1, $1  }
0xc: {  	_ =	sdelay $0x3  }
.LBB2_10:
0xd: {  	s12 =	sadd.s32 $0x40, s11  }
0xe: {  	s13 =	smov.u32 s6;
	p0 =	slt.s32 s12, s8  }
0xf: {  	s13 =	smov.u32 @p0 s12  }
0x10: {  	s10 =	sadd.s32 $0x1, s10;
	s12 =	smov.u32 s11;
	s11 =	smov.u32 s13  }
.LBB2_1:
0x11: {  	p0 =	sne.s32 s10, $0x0  }
.Ltmp2:
0x12: {  	_ = 	snop;
	(pc) =	sbr.rel @!p0 .LBB2_2-.Ltmp2, $1  }
0x13: {  	_ =	sdelay $0x3  }
0x14: {  	s13 =	sand.u32 $0x1, s10  }
0x15: {  	p0 =	seq.s32 s13, $0x0  }
.Ltmp3:
0x16: {  	_ = 	snop;
	(pc) =	sbr.rel @p0 .LBB2_9-.Ltmp3, $1  }
0x17: {  	_ =	sdelay $0x3  }
0x18: {  	_ =	swait.ge [sflag:s5], $0x40  }
0x19: {  	[sflag:s5] =	ssyncset.done $0x0  }
0x1a: {  	s13 =	simm.s32 $0x0;
	[sflag:s5] =	ssyncadd.s32 $0xFFFFFFC0  }
0x1b: {  	v0 =	vld.msk [tilespmem:s13+$0x40 ss:$0x1], $0xffff;
	_ =	sdelay $0x4  }
0x1c: {  	vm2 =	vgt.s32 v0, $0x0  }
0x1d: {  	v0 =	vnsel vm2, $0x0, v0  }
0x1e: {  	v0 =	vmin.u32 v0, $0x7FF  }
0x1f: {  	v0 =	vshll.u32 v0, $0x4;
	_ =	sdelay $0x3  }
0x20: {  	s13 =	simm.s32 $0x2080  }
0x21: {  	[tilespmem:s13], [sflag:$0x1] =	stream.indirect_vreg.gather [hbm:s2], $0x80, v0, vm0, $0x38;
	[tilespmem:$0x4080] =	vst v63  }
0x22: {  	s14 =	simm.s32 $0x2480;
	s31 =	simm.s32 $0x10  }
0x23: {  	[tilespmem:s14], [sflag:$0x1] =	stream.indirect_vreg.gather [hbm:s2], $0x80, v0, vm1, $0x38;
	[tilespmem:$0x4080] =	vst v63  }
0x24: {  	s14 =	simm.s32 $0x80;
	v0 =	vld.msk [tilespmem:s31+$0x40 ss:$0x1], $0xffff  }
.LBB2_5:
0x25: {  	p0 =	sne.s32 s14, $0xC0;
	_ =	sdelay $0x4  }
0x26: {  	vm2 =	vgt.s32 v0, $0x0  }
0x27: {  	v0 =	vnsel vm2, $0x0, v0  }
0x28: {  	v0 =	vmin.u32 v0, $0x7FF  }
0x29: {  	v0 =	vshll.u32 v0, $0x4;
	_ =	sdelay $0x3  }
.Ltmp4:
0x2a: {  	s13 =	sadd.s32 $0x800, s13;
	(pc) =	sbr.rel @p0 .LBB2_5-.Ltmp4, $4  }
0x2b: {  	[tilespmem:s13], [sflag:$0x1] =	stream.indirect_vreg.gather [hbm:s2], $0x80, v0, vm0, $0x38;
	[tilespmem:$0x4080] =	vst v63  }
0x2c: {  	s15 =	sshra.s32 s14, $0x2;
	s16 =	sadd.s32 $0x400, s13  }
0x2d: {  	[tilespmem:s16], [sflag:$0x1] =	stream.indirect_vreg.gather [hbm:s2], $0x80, v0, vm1, $0x38;
	[tilespmem:$0x4080] =	vst v63  }
0x2e: {  	s14 =	sadd.s32 $0x40, s14;
	v0 =	vld.msk [tilespmem:s15+$0x40 ss:$0x1], $0xffff  }
0x2f: {  	_ =	sdelay $0x3  }
0x30: {  	vm2 =	vgt.s32 v0, $0x0  }
0x31: {  	v0 =	vnsel vm2, $0x0, v0  }
0x32: {  	v0 =	vmin.u32 v0, $0x7FF  }
0x33: {  	v0 =	vshll.u32 v0, $0x4;
	_ =	sdelay $0x3  }
0x34: {  	s13 =	sadd.s32 $0x800, s13  }
0x35: {  	[tilespmem:s13], [sflag:$0x1] =	stream.indirect_vreg.gather [hbm:s2], $0x80, v0, vm0, $0x38;
	[tilespmem:$0x4080] =	vst v63  }
0x36: {  	s13 =	sadd.s32 $0x400, s13  }
0x37: {  	[tilespmem:s13], [sflag:$0x1] =	stream.indirect_vreg.gather [hbm:s2], $0x80, v0, vm1, $0x38;
	[tilespmem:$0x4080] =	vst v63  }
0x38: {  	s12 =	sshll.u32 s12, $0x4;
	s14 =	simm.s32 $0x80;
	_ =	swait.ge [sflag:s4], $0x2000  }
0x39: {  	s15 =	simm.s32 $0x2480;
	s12 =	sadd.s32 s12, s7;
	[sflag:s4] =	ssyncset.done $0x0  }
0x3a: {  	s16 =	sadd.s32 $0x0, s12;
	s13 =	simm.s32 $0x2080;
	[sflag:s4] =	ssyncadd.s32 $0xFFFFE000  }
.LBB2_7:
0x3b: {  	[hbm:s16] =	stream.linear.scatter [tilespmem:s13], [sflag:$0x3], $0x400, $0x38;
	[tilespmem:$0x4080] =	vst v63  }
0x3c: {  	s16 =	smov.u32 s14;
	s13 =	smov.u32 s15;
	p0 =	sne.s32 s14, $0x380  }
.Ltmp5:
0x3d: {  	s14 =	sadd.s32 $0x80, s14;
	(pc) =	sbr.rel @p0 .LBB2_7-.Ltmp5, $2  }
0x3e: {  	_ =	sdelay $0x2  }
0x3f: {  	s15 =	sadd.s32 $0x400, s15;
	s16 =	sadd.s32 s16, s12  }
.Ltmp6:
0x40: {  	(pc) =	sbr.rel .LBB2_9-.Ltmp6, $2  }
0x41: {  	_ =	sdelay $0x2  }
0x42: {  	[hbm:s16] =	stream.linear.scatter [tilespmem:s13], [sflag:$0x3], $0x400, $0x38;
	[tilespmem:$0x4080] =	vst v63  }
.LBB2_2:
.Ltmp7:
0x43: {  	(pc) =	sbr.rel .LBB2_10-.Ltmp7, $4  }
0x44: {  	_ = 	snop  }
0x45: {  	s12 =	sshrl.u32 s11, $0x3  }
0x46: {  	s13 =	sand.u32 $0x7, s11;
	s12 =	sadd.s32 s3, s12  }
0x47: {  	[tilespmem:s9], [sflag:$0x2] =	stream.linear.gather [hbm4b:s12+s13], $0x40, $0x38;
	[tilespmem:$0x4080] =	vst v63  }
.LBB2_11:
0x48: {  	s2 =	simm.s32 $0x3  }
0x49: {  	_ =	swait.ge [sflag:s2], $0x2000  }
0x4a: {  	[sflag:s2] =	ssyncset.done $0x0  }
0x4b: {  	[sflag:s2] =	ssyncadd.s32 $0xFFFFE000  }
0x4c: {  	_ =	sfence.sel $0x180000  }
0x4d: {  	s3 =	simm.s32 $0x2;
	[bflag:$0x0] =	sbarrier.arrive $0xFFFF  }
0x4e: {  	[sflag:s3] =	ssyncpa.u1 $0x1  }
0x4f: {  	s31 =	simm.s32 $0x1;
	[sflag:s2] =	ssyncpa.u1 $0x1  }
0x50: {  	[sflag:s31] =	ssyncpa.u1 $0x1  }
0x51: {  	p0 =	sne.s32 s1, $0x0;
	_ =	strace $0x90000047  }
0x52: {  	s0 =	sadd.s32 @!p0 $0x100000, s0;
	[bflag:$0x2] =	sbarrier.arrive $0xFFFF  }
0x53: {  	[sflag:s0] =	ssyncadd.tile.s32 @!p0 $0x1;
	_ =	shalt  }
.Lfunc_end2:
_tile_overlayer_lowered:
.L_overlay_start_2:
0x54: {  	(tag) =	ssettag $0x2  }
0x55: {  	s0 =	rddreg [dreg:$0x0];
	s2 =	stileid.u32  }
0x56: {  	s1 =	rddreg [dreg:$0x1];
	p0 =	sne.s32 s2, $0x0  }
0x57: {  	s3 =	rddreg [dreg:$0x2];
	[bflag:$0x3] =	sbarrier.arrive $0xFFFF;
	s2 =	simm.s32 @!p0 $0x1C01  }
0x58: {  	[timem:s3], [sflag:s2] =	dma.local @!p0 [hbm:s0], s1  }
0x59: {  	s0 =	simm.s32 @!p0 $0x1  }
0x5a: {  	_ =	swait.ge @!p0 [sflag:s0], s1  }
0x5b: {  	s1 =	ssub.s32 @!p0 $0x0, s1;
	[sflag:s0] =	ssyncset.done @!p0 $0x0  }
0x5c: {  	[sflag:s0] =	ssyncadd.s32 @!p0 s1  }
0x5d: {  	[bflag:$0x3] =	sbarrier.arrive $0xFFFF  }
0x5e: {  	_ =	shalt  }

// kernel: kernel.5.cloned.1.call-start
scs
__scs_entry_jumppad:
0x0: {  	(pc) =	sbr.rel $0x88, $3  }
0x1: {  	(tag) =	ssettag $0x0;
	lr =	simm.s32 $0x1  }
0x2: {  	[smem:$0x3F9B] =	sst lr;
	_ =	strace $0xD0000000  }
0x3: {  	_ = 	snop  }
0x4: {  	_ = 	snop  }
0x5: {  	_ = 	snop  }
0x6: {  	_ = 	snop  }
0x7: {  	_ = 	snop  }
__scs_overlays_trampoline_lowered:
0x8: {  	[smem:$0x3FAA] =	sst s0  }
0x9: {  	[smem:$0x3FAB] =	sst s1  }
0xa: {  	[smem:$0x3FAC] =	sst s2  }
0xb: {  	[smem:$0x3FAD] =	sst s3  }
0xc: {  	[smem:$0x3FAE] =	sst s4  }
0xd: {  	[smem:$0x3FAF] =	sst s5  }
0xe: {  	[smem:$0x3FB0] =	sst s6  }
0xf: {  	[smem:$0x3FB1] =	sst s7  }
0x10: {  	[smem:$0x3FB2] =	sst s8  }
0x11: {  	[smem:$0x3FB3] =	sst s9;
	s0 =	simm.s32 @!p0 $0x0  }
0x12: {  	s1 =	sld [smem:$0x3F99];
	s0 =	simm.s32 @p0 $0x1  }
0x13: {  	[smem:$0x3FB4] =	sst s0;
	s0 =	simm.s32 @!p1 $0x0  }
0x14: {  	s2 =	sld [smem:$0x3F98];
	s0 =	simm.s32 @p1 $0x1  }
0x15: {  	[smem:$0x3FB5] =	sst s0;
	s0 =	simm.s32 @!p2 $0x0  }
0x16: {  	s3 =	sld [smem:$0x3FDB];
	s0 =	simm.s32 @p2 $0x1  }
0x17: {  	s4 =	simm.s32 $0x1BF5;
	[smem:$0x3FB7] =	sst s0  }
0x18: {  	s0 =	sld [smem:$0x3F9A];
	_ =	swait.ge [sflag:s4], $0x0  }
0x19: {  	s7 =	sld [smem:$0x3F9B]  }
0x1a: {  	s8 =	sadd.s32 $0xFFFFE003, lr  }
0x1b: {  	s9 =	sadd.s32 $0xFFFFFEF7, lr;
	s5 =	simm.s32 $0xFFFFFFFF;
	p2 =	slt.u32 s8, $0xFFFFF086  }
0x1c: {  	p1 =	slt.u32 s9, $0xF7A;
	s5 =	simm.s32 @!p2 $0x0  }
0x1d: {  	s5 =	simm.s32 @p1 $0x1;
	p0 =	seq.s32 s7, s2  }
0x1e: {  	s7 =	smul.u32 @!p0 $0xF7A, s2;
	p2 =	seq.s32 @!p0 s5, $0x0  }
0x1f: {  	s9 =	smul.u32 $0xF7A, s1;
	s8 =	simm.s32 @!p0 $0x1BF5;
	p2 =	por !p2, p0  }
0x20: {  	[sflag:s8] =	ssyncset.s32 @!p0 $0xFFFFF086;
	s6 =	sadd.s32 @!p0 s3, s7;
	s7 =	simm.s32 @!p0 $0x108  }
0x21: {  	s3 =	sadd.s32 s3, s9;
	s6 =	sadd.s32 @!p0 $0x88, s6;
	s7 =	simm.s32 @p2 $0x1082  }
0x22: {  	[simem:s7], [sflag:s8] =	dma.local @!p0 [hbm:s6], $0xF7A  }
0x23: {  	s9 =	sor.u32 $0xD0000000, s2;
	s6 =	simm.s32 $0x108;
	_ =	swait.ge @!p0 [sflag:s8], $0x0  }
0x24: {  	s3 =	sadd.s32 $0x88, s3;
	s6 =	simm.s32 @!p1 $0x1082;
	[sflag:s4] =	ssyncset.s32 $0xFFFFF086  }
0x25: {  	[simem:s6], [sflag:s4] =	dma.local [hbm:s3], $0xF7A  }
0x26: {  	[smem:$0x3F9B] =	sst s1;
	(tag) =	ssettag s2;
	_ =	strace s9  }
0x27: {  	s1 =	sld [smem:$0x3FAB]  }
0x28: {  	s2 =	sld [smem:$0x3FAC]  }
0x29: {  	s4 =	sld [smem:$0x3FAE]  }
0x2a: {  	p0 =	seq.s32 s5, $0x0;
	s5 =	sld [smem:$0x3FAF]  }
0x2b: {  	s6 =	sld [smem:$0x3FB0]  }
0x2c: {  	s7 =	sld [smem:$0x3FB1]  }
0x2d: {  	s3 =	simm.s32 $0x108;
	s8 =	sld [smem:$0x3FB2]  }
0x2e: {  	s3 =	simm.s32 @!p0 $0x1082;
	s9 =	sld [smem:$0x3FB3]  }
0x2f: {  	lr =	sadd.s32 s0, s3;
	s0 =	sld [smem:$0x3FAA]  }
0x30: {  	s3 =	sld [smem:$0x3FAD]  }
0x31: {  	[smem:$0x3FB6] =	sst s10  }
0x32: {  	s10 =	sld [smem:$0x3FB4];
	_ =	sdelay $0x3  }
0x33: {  	p0 =	seq.s32 s10, $0x1;
	s10 =	sld [smem:$0x3FB6];
	_ =	sdelay $0x3  }
0x34: {  	[smem:$0x3FB6] =	sst s10  }
0x35: {  	s10 =	sld [smem:$0x3FB5];
	_ =	sdelay $0x3  }
0x36: {  	p1 =	seq.s32 s10, $0x1;
	s10 =	sld [smem:$0x3FB6];
	_ =	sdelay $0x3  }
0x37: {  	[smem:$0x3FB6] =	sst s10  }
0x38: {  	s10 =	sld [smem:$0x3FB7]  }
0x39: {  	_ = 	snop;
	(pc) =	sbr.ind lr, $3  }
0x3a: {  	_ = 	snop  }
0x3b: {  	_ = 	snop  }
0x3c: {  	p2 =	seq.s32 s10, $0x1;
	s10 =	sld [smem:$0x3FB6]  }
0x3d: {  	_ =	shalt  }
0x3e: {  	_ =	shalt  }
0x3f: {  	_ =	shalt  }
0x40: {  	_ =	shalt  }
0x41: {  	_ =	shalt  }
0x42: {  	_ =	shalt  }
0x43: {  	_ =	shalt  }
0x44: {  	_ =	shalt  }
0x45: {  	_ =	shalt  }
0x46: {  	_ =	shalt  }
0x47: {  	_ =	shalt  }
0x48: {  	_ =	shalt  }
0x49: {  	_ =	shalt  }
0x4a: {  	_ =	shalt  }
0x4b: {  	_ =	shalt  }
0x4c: {  	_ =	shalt  }
0x4d: {  	_ =	shalt  }
0x4e: {  	_ =	shalt  }
0x4f: {  	_ =	shalt  }
0x50: {  	_ =	shalt  }
0x51: {  	_ =	shalt  }
0x52: {  	_ =	shalt  }
0x53: {  	_ =	shalt  }
0x54: {  	_ =	shalt  }
0x55: {  	_ =	shalt  }
0x56: {  	_ =	shalt  }
0x57: {  	_ =	shalt  }
0x58: {  	_ =	shalt  }
0x59: {  	_ =	shalt  }
0x5a: {  	_ =	shalt  }
0x5b: {  	_ =	shalt  }
0x5c: {  	_ =	shalt  }
0x5d: {  	_ =	shalt  }
0x5e: {  	_ =	shalt  }
0x5f: {  	_ =	shalt  }
0x60: {  	_ =	shalt  }
0x61: {  	_ =	shalt  }
0x62: {  	_ =	shalt  }
0x63: {  	_ =	shalt  }
0x64: {  	_ =	shalt  }
0x65: {  	_ =	shalt  }
0x66: {  	_ =	shalt  }
0x67: {  	_ =	shalt  }
0x68: {  	_ =	shalt  }
0x69: {  	_ =	shalt  }
0x6a: {  	_ =	shalt  }
0x6b: {  	_ =	shalt  }
0x6c: {  	_ =	shalt  }
0x6d: {  	_ =	shalt  }
0x6e: {  	_ =	shalt  }
0x6f: {  	_ =	shalt  }
0x70: {  	_ =	shalt  }
0x71: {  	_ =	shalt  }
0x72: {  	_ =	shalt  }
0x73: {  	_ =	shalt  }
0x74: {  	_ =	shalt  }
0x75: {  	_ =	shalt  }
0x76: {  	_ =	shalt  }
0x77: {  	_ =	shalt  }
0x78: {  	_ =	shalt  }
0x79: {  	_ =	shalt  }
0x7a: {  	_ =	shalt  }
0x7b: {  	_ =	shalt  }
0x7c: {  	_ =	shalt  }
0x7d: {  	_ =	shalt  }
0x7e: {  	_ =	shalt  }
0x7f: {  	_ =	shalt  }
0x80: {  	_ =	shalt  }
0x81: {  	_ =	shalt  }
0x82: {  	_ =	shalt  }
0x83: {  	_ =	shalt  }
0x84: {  	_ =	shalt  }
0x85: {  	_ =	shalt  }
0x86: {  	_ =	shalt  }
0x87: {  	_ =	shalt  }
.Lfunc_end0:
.L_simem_size_0:
called_computation.1_lowered:
.L_overlay_start_0:
0x88: {  	s2 =	sld [smem:$0x3FD9]  }
0x89: {  	s3 =	sld [smem:$0x3FFE];
	_ =	sdelay $0x1  }
0x8a: {  	s1 =	srdreg.scid  }
0x8b: {  	s0 =	sand.u32 $0x1, s1  }
0x8c: {  	s17 =	sshll.u32 s0, $0xA;
	s2 =	sadd.s32 s3, s2  }
0x8d: {  	s2 =	sadd.s32 s2, s17  }
0x8e: {  	[smem:$0x3FC2] =	sst s2  }
0x8f: {  	_ = 	snop  }
0x90: {  	s2 =	sld [smem:$0x3FD0];
	(tm) =	ssettm $0x1  }
0x91: {  	s18 =	sld [smem:$0x3FFB];
	_ =	sdelay $0x3  }
0x92: {  	_ =	strace s18  }
0x93: {  	s3 =	sld [smem:$0x3FFC];
	_ =	sdelay $0x3  }
0x94: {  	_ =	strace s3  }
0x95: {  	s3 =	sld [smem:$0x3FFD];
	_ =	sdelay $0x3  }
0x96: {  	_ =	strace s3  }
0x97: {  	_ =	strace $0x8FFFFFFF  }
0x98: {  	s19 =	sld [smem:$0x3FDB];
	_ =	sdelay $0x1  }
0x99: {  	s4 =	simm.s32 $_scs_section_size  }
0x9a: {  	s5 =	simm.s32 $_size__tile_overlayer_lowered;
	s6 =	simm.s32 $_tile_overlayer_lowered  }
0x9b: {  	s22 =	simm.s32 $0x1BFF;
	s21 =	sshll.u32 s6, $0x1;
	s3 =	sadd.s32 s4, s19  }
0x9c: {  	s7 =	simm.s32 $0x0;
	s20 =	sshll.u32 s5, $0x1;
	s5 =	sadd.s32 s21, s3  }
0x9d: {  	[timem:s7], [sflag:s22] =	dma.local [hbm:s5], s20  }
0x9e: {  	_ =	swait.ge [sflag:s22], s20  }
0x9f: {  	s4 =	ssub.s32 $0x0, s20;
	[sflag:s22] =	ssyncset.done $0x0  }
0xa0: {  	[sflag:s22] =	ssyncadd.s32 s4;
	_ =	sdelay $0x1  }
0xa1: {  	s23 =	simm.s32 $0x1B8B  }
0xa2: {  	_ =	swait.ge [sflag:s23], $0x1  }
0xa3: {  	[sflag:s23] =	ssyncset.done $0x0  }
0xa4: {  	s25 =	simm.s32 $0x1B8E;
	s24 =	sld [smem:$0x3FFE];
	[sflag:s23] =	ssyncadd.s32 $0xFFFFFFFF  }
0xa5: {  	s26 =	simm.s32 $execute0_lowered;
	[smem:$0x3FD2] =	sst s25  }
0xa6: {  	s5 =	sshll.u32 s26, $0x1;
	_ =	strace $0x80000049;
	[dreg:$0x1] =	wrdreg $0xFFFFFFFF  }
0xa7: {  	s28 =	simm.s32 $_size_execute0_lowered;
	s3 =	sadd.s32 s3, s5;
	[dreg:$0x0] =	wrdreg $0x0  }
0xa8: {  	s5 =	sshll.u32 s28, $0x1;
	[dreg:$0x2] =	wrdreg s3  }
0xa9: {  	[dreg:$0x3] =	wrdreg s5  }
0xaa: {  	[dreg:$0x4] =	wrdreg $0xC0  }
0xab: {  	_ =	task [dreg:s7], $0x5FFFF  }
0xac: {  	[dreg:$0x1] =	wrdreg $0xFFFFFFFF  }
0xad: {  	[dreg:$0x0] =	wrdreg $0x60  }
0xae: {  	[dreg:$0x2] =	wrdreg s2  }
0xaf: {  	[dreg:$0x3] =	wrdreg s24  }
0xb0: {  	[dreg:$0x4] =	wrdreg $0x9  }
0xb1: {  	_ =	task.clear_ibuf [dreg:s7], $0x5FFFF;
	_ =	strace $0x90000049  }
0xb2: {  	s29 =	simm.s32 $0x9;
	_ =	strace $0x8000004B  }
0xb3: {  	_ =	swait.ge [sflag:s29], $0x1  }
0xb4: {  	[sflag:s29] =	ssyncadd.s32 $0xFFFFFFFF  }
0xb5: {  	_ =	strace $0x9000004B  }
0xb6: {  	_ =	sfence  }
0xb7: {  	s30 =	sld [smem:$0x0];
	_ =	sdelay $0x2  }
0xb8: {  	s31 =	sshll.u32 s1, $0xD;
	s1 =	sshrl.u32 s1, $0x2  }
0xb9: {  	s3 =	sand.u32 $0x4000, s31;
	s1 =	sadd.s32 s1, s30  }
0xba: {  	s0 =	sor.u32 s3, s0;
	s1 =	sshll.u32 s1, $0x11  }
0xbb: {  	s0 =	sor.u32 s1, s0  }
0xbc: {  	s0 =	sadd.s32 $0x8F2B, s0  }
0xbd: {  	[sflag:s0] =	ssyncadd.remote.s32 $0x1  }
0xbe: {  	_ =	sfence.sel $0xFFFF  }
0xbf: {  	[dreg:$0x0] =	wrdreg $0xFFFFFFFF;
	(pc) =	sbr.abs _section_cstart, $3  }
0xc0: {  	[dreg:$0x1] =	wrdreg $0xFFFFFFFF  }
0xc1: {  	_ =	task.clear_ibuf [dreg:s7], $0x2FFFF;
	_ =	strace $0x9FFFFFFF  }
0xc2: {  	(tm) =	ssettm $0x7FFFFFFF  }
0xc3: {  	_ =	shalt  }
tec
execute0_lowered:
.L_overlay_start_1:
0x0: {  	(tag) =	ssettag $0x1  }
0x1: {  	s1 =	srdreg.scid  }
0x2: {  	s0 =	stileid.u32;
	s5 =	rddreg [dreg:$0x0];
	s6 =	simm.s32 $0x1  }
0x3: {  	s3 =	simm.s32 $0x0;
	s19 =	simm.s32 $0x2;
	s20 =	simm.s32 $0x400  }
0x4: {  	s21 =	simm.s32 $0x800;
	s1 =	sand.u32 $0x1, s1;
	s2 =	sshll.u32 s0, $0x1  }
0x5: {  	s23 =	simm.s32 $0x5000;
	s24 =	simm.s32 $0x80;
	s4 =	sor.u32 s1, s2  }
0x6: {  	s25 =	simm.s32 $0xE00;
	p1 =	seq.s32 s1, $0x1;
	p0 =	seq.s32 s4, $0x0  }
0x7: {  	s28 =	simm.s32 $0x0;
	[smem:$0x7FF] =	sst s3;
	p0 =	por !p0, !p1  }
0x8: {  	s2 =	rddreg [dreg:$0x1];
	_ =	strace $0x8000004A;
	p0 =	por !p0, !p0  }
0x9: {  	s26 =	ssub.s32 $0x2, s1;
	s29 =	sshll.u32 s1, $0x7;
	s6 =	simm.s32 @!p0 $0x0  }
0xa: {  	s7 =	sshll.u32 s4, $0xB;
	s4 =	sshll.u32 s4, $0x1;
	s6 =	ssub.s32 s0, s6  }
0xb: {  	s8 =	sshrl.u32 s26, $0x1;
	s30 =	sadd.s32 s29, s5;
	s6 =	scvt.s32.f32 s6  }
0xc: {  	s5 =	sshll.u32 s1, $0xA;
	s17 =	sadd.s32 s7, s2;
	s9 =	sadd.s32 s4, s2  }
0xd: {  	s18 =	ssub.s32 s26, s8;
	s4 =	simm.s32 $0x1;
	s6 =	smul.f32 $8.000000000e+00, s6  }
0xe: {  	s7 =	sadd.s32 $0x1000, s30;
	s8 =	sadd.s32 $0x1100, s30;
	s26 =	simm.s32 $0x3000  }
.Ltmp0:
0xf: {  	s9 =	sadd.s32 $0x11200, s9;
	s22 =	sadd.f32 $5.000000000e-01, s6;
	(pc) =	sbr.rel .LBB2_1-.Ltmp0, $4  }
0x10: {  	s10 =	sadd.s32 $0x1200, s17;
	s11 =	sadd.s32 $0x1300, s17;
	s12 =	sadd.s32 $0x1400, s17  }
0x11: {  	s13 =	sadd.s32 $0x1500, s17;
	s14 =	sadd.s32 $0x1600, s17;
	s31 =	sadd.f32 $7.000000000e+00, s22  }
0x12: {  	v2 =	vimm.s32 $0x800;
	v3 =	vimm.s32 $0x0;
	s15 =	sadd.s32 $0x1700, s17;
	s16 =	sadd.s32 $0x1800, s17;
	s17 =	sadd.s32 $0x1900, s17  }
0x13: {  	v4 =	vlaneseq.u32;
	s18 =	smax.u32 s18, $0x1;
	s6 =	sadd.s32 $0x100, s30;
	v0 =	vmov s22;
	s22 =	simm.s32 $0xC00;
	v1 =	vmov s31  }
.LBB2_7:
0x14: {  	s28 =	sadd.s32 $0x1, s28  }
0x15: {  	p0 =	sne.s32 s28, s18  }
.Ltmp1:
0x16: {  	_ = 	snop;
	(pc) =	sbr.rel @!p0 .LBB2_8-.Ltmp1, $1  }
0x17: {  	_ =	sdelay $0x3  }
.LBB2_1:
0x18: {  	[tilespmem:s3], [sflag:$0x2] =	stream.linear.gather [hbm4b:s6+s3], $0x400, $0x38;
	[tilespmem:$0x5010] =	vst v63  }
0x19: {  	_ =	swait.ge [sflag:s19], $0x400  }
0x1a: {  	[sflag:s19] =	ssyncset.done $0x0  }
0x1b: {  	[sflag:s19] =	ssyncadd.s32 $0xFFFFFC00  }
0x1c: {  	[tilespmem:s20], [sflag:$0x2] =	stream.linear.gather [hbm4b:s7+s3], $0x400, $0x38;
	[tilespmem:$0x5010] =	vst v63  }
0x1d: {  	_ =	swait.ge [sflag:s19], $0x400  }
0x1e: {  	[sflag:s19] =	ssyncset.done $0x0  }
0x1f: {  	[sflag:s19] =	ssyncadd.s32 $0xFFFFFC00  }
0x20: {  	[tilespmem:s21], [sflag:$0x2] =	stream.linear.gather [hbm4b:s8+s3], $0x400, $0x38;
	[tilespmem:$0x5010] =	vst v63  }
0x21: {  	_ =	swait.ge [sflag:s19], $0x400  }
0x22: {  	[sflag:s19] =	ssyncset.done $0x0  }
0x23: {  	s1 =	simm.s32 $0x0;
	s29 =	simm.s32 $0x0;
	[sflag:s19] =	ssyncadd.s32 $0xFFFFFC00  }
.LBB2_2:
0x24: {  	p0 =	sne.s32 s29, $0xFC0  }
.Ltmp2:
0x25: {  	_ = 	snop;
	(pc) =	sbr.rel @p0 .LBB2_2-.Ltmp2, $4  }
0x26: {  	s30 =	sand.u32 $0xE00, s29  }
0x27: {  	s31 =	sand.u32 $0x70, s1;
	s30 =	sshrl.u32 s30, $0x2  }
0x28: {  	s30 =	sor.u32 s31, s30  }
0x29: {  	s1 =	sadd.s32 $0x10, s1;
	s29 =	sadd.s32 $0x40, s29;
	[tilespmem:s30+$0xC00] =	vst v2  }
0x2a: {  	s29 =	simm.s32 $0x0  }
0x2b: {  	v5 =	vld [tilespmem:s29+$0x0];
	_ =	sdelay $0x4  }
0x2c: {  	s30 =	simm.s32 $0x400;
	v6 =	vmax.f32 v0, v5  }
0x2d: {  	v7 =	vld [tilespmem:s30+$0x0];
	v6 =	vmin.f32 v1, v6  }
0x2e: {  	s31 =	simm.s32 $0x800;
	v5 =	vsub.f32 v6, v5  }
0x2f: {  	v6 =	vld [tilespmem:s31+$0x0]  }
0x30: {  	v5 =	vmul.f32 v5, v5;
	_ =	sdelay $0x1  }
0x31: {  	v5 =	vmul.f32 v5, v7;
	_ =	sdelay $0x1  }
0x32: {  	vm0 =	vle.f32 v5, v6  }
0x33: {  	v5 =	vsel vm0, $0x1, v3  }
0x34: {  	(xrf0) =	vadd.scan.msk.s32 $0xffff, v5;
	_ =	sdelay $0x5  }
0x35: {  	v5 =	vimm.s32 $0x0;
	v6, _, _ =	vpop (xrf0)  }
0x36: {  	v6 =	vadd.s32 v6, v5  }
0x37: {  	v6 =	vadd.s32 $0xFFFFFFFF, v6  }
0x38: {  	v7 =	vshra.s32 v6, $0x1F  }
0x39: {  	v7 =	vshrl.u32 v7, $0x19  }
0x3a: {  	v7 =	vadd.s32 v7, v6  }
0x3b: {  	v7 =	vshrl.u32 v7, $0x7  }
0x3c: {  	v7 =	vshll.u32 v7, $0x7  }
0x3d: {  	v8 =	vsub.s32 v6, v7  }
0x3e: {  	v8 =	vand.u32 $0xFFFFFFF8, v8  }
0x3f: {  	v6 =	vand.u32 $0x7, v6;
	v7 =	vadd.s32 v8, v7  }
0x40: {  	v6 =	vor.u32 v6, v7;
	_ =	sdelay $0x1  }
0x41: {  	v9 =	vmpcnt.ones.xlane vm0  }
0x42: {  	s0 =	sor.u32 s5, s29  }
0x43: {  	s1 =	simm.s32 $0x10;
	v5 =	vadd.s32 v5, v9;
	v7 =	vor.u32 s0, v4  }
.LBB2_4:
0x44: {  	[tilespmem:v6+s22+$0x0] =	vst.idx.msk vm0, v7;
	s29 =	sadd.s32 $0x10, s29;
	s30 =	sadd.s32 $0x10, s30;
	s31 =	sadd.s32 $0x10, s31;
	v6 =	vmov v5  }
0x45: {  	p0 =	sne.s32 s1, $0x3F0;
	s0 =	smov.u32 s1;
	s1 =	sadd.s32 $0x10, s1;
	v7 =	vld [tilespmem:s29+$0x0]  }
0x46: {  	_ =	sdelay $0x3  }
0x47: {  	v8 =	vmax.f32 v0, v7  }
0x48: {  	v9 =	vld [tilespmem:s30+$0x0];
	v8 =	vmin.f32 v1, v8  }
0x49: {  	v7 =	vsub.f32 v8, v7  }
0x4a: {  	v8 =	vld [tilespmem:s31+$0x0]  }
0x4b: {  	v7 =	vmul.f32 v7, v7;
	_ =	sdelay $0x1  }
0x4c: {  	v7 =	vmul.f32 v7, v9;
	_ =	sdelay $0x1  }
0x4d: {  	vm0 =	vle.f32 v7, v8  }
0x4e: {  	v7 =	vsel vm0, $0x1, v3;
	v8 =	vmpcnt.ones.xlane vm0  }
0x4f: {  	(xrf0) =	vadd.scan.msk.s32 $0xffff, v7  }
0x50: {  	v5 =	vadd.s32 v5, v8;
	_ =	sdelay $0x4  }
0x51: {  	v7, _, _ =	vpop (xrf0)  }
0x52: {  	v6 =	vadd.s32 v7, v6  }
0x53: {  	v6 =	vadd.s32 $0xFFFFFFFF, v6  }
0x54: {  	v7 =	vshra.s32 v6, $0x1F  }
0x55: {  	v7 =	vshrl.u32 v7, $0x19  }
0x56: {  	v7 =	vadd.s32 v7, v6  }
0x57: {  	v7 =	vshrl.u32 v7, $0x7  }
0x58: {  	v7 =	vshll.u32 v7, $0x7  }
0x59: {  	v8 =	vsub.s32 v6, v7  }
0x5a: {  	v8 =	vand.u32 $0xFFFFFFF8, v8  }
0x5b: {  	v6 =	vand.u32 $0x7, v6;
	v7 =	vadd.s32 v8, v7  }
.Ltmp3:
0x5c: {  	v6 =	vor.u32 v6, v7;
	(pc) =	sbr.rel @p0 .LBB2_4-.Ltmp3, $3  }
0x5d: {  	_ =	sdelay $0x1  }
0x5e: {  	s0 =	sor.u32 s5, s0  }
0x5f: {  	v7 =	vor.u32 s0, v4  }
0x60: {  	v8 =	vxor.u32 $0x80000000, v5  }
0x61: {  	(xrf0) =	vmax.scan.msk.u32 $0xffff, v8;
	_ =	sdelay $0x5  }
0x62: {  	v8, _, _ =	vpop (xrf0)  }
0x63: {  	(v2sf) =	vpush v8, $0xF;
	_ =	sdelay $0xb  }
0x64: {  	[tilespmem:v6+s22+$0x0] =	vst.idx.msk vm0, v7  }
0x65: {  	[tilespmem:$0x5000] =	vst v5  }
0x66: {  	[hbm4b:s9+s3] =	stream.linear.scatter [tilespmem:s23], [sflag:$0x2], $0x10, $0x38;
	[tilespmem:$0x5010] =	vst v63  }
0x67: {  	s0 =	spop (v2sf)  }
0x68: {  	_ =	swait.ge [sflag:s19], $0x10  }
0x69: {  	s29 =	sxor.u32 $0x80000000, s0;
	[sflag:s19] =	ssyncset.done $0x0  }
0x6a: {  	p0 =	slt.s32 s29, $0x1;
	[sflag:s19] =	ssyncadd.s32 $0xFFFFFFF0  }
0x6b: {  	s0 =	simm.s32 @!p0 $0x80;
	s1 =	simm.s32 @!p0 $0xC00;
	s30 =	simm.s32 @!p0 $0x1000  }
0x6c: {  	[tilespmem:s30], [sflag:$0x1] =	stream.indirect.gather @!p0 [hbm4b:s2+s0], $0x10, s1, s0, $0xb8;
	[tilespmem:$0x5010] =	vst v63  }
0x6d: {  	s0 =	simm.s32 @!p0 $0x1  }
0x6e: {  	_ =	swait.ge @!p0 [sflag:s0], $0x800  }
0x6f: {  	[sflag:s0] =	ssyncset.done @!p0 $0x0  }
0x70: {  	[sflag:s0] =	ssyncadd.s32 @!p0 $0xFFFFF800;
	s0 =	simm.s32 @!p0 $0x0  }
0x71: {  	[hbm4b:s10+s0] =	stream.linear.scatter @!p0 [tilespmem:s30], [sflag:$0x2], $0x800, $0x38;
	[tilespmem:$0x5010] =	vst v63  }
0x72: {  	s0 =	simm.s32 @!p0 $0x2  }
0x73: {  	_ =	swait.ge @!p0 [sflag:s0], $0x800  }
0x74: {  	p1 =	slt.u32 @!p0 s29, $0x81;
	[sflag:s0] =	ssyncset.done @!p0 $0x0  }
0x75: {  	[sflag:s0] =	ssyncadd.s32 @!p0 $0xFFFFF800;
	p0 =	por p0, p1  }
0x76: {  	s0 =	simm.s32 @!p0 $0x80;
	s1 =	simm.s32 @!p0 $0xC80;
	s30 =	simm.s32 @!p0 $0x1800  }
0x77: {  	[tilespmem:s30], [sflag:$0x1] =	stream.indirect.gather @!p0 [hbm4b:s2+s0], $0x10, s1, s0, $0xb8;
	[tilespmem:$0x5010] =	vst v63  }
0x78: {  	s0 =	simm.s32 @!p0 $0x1  }
0x79: {  	_ =	swait.ge @!p0 [sflag:s0], $0x800  }
0x7a: {  	[sflag:s0] =	ssyncset.done @!p0 $0x0  }
0x7b: {  	[sflag:s0] =	ssyncadd.s32 @!p0 $0xFFFFF800;
	s0 =	simm.s32 @!p0 $0x0  }
0x7c: {  	[hbm4b:s11+s0] =	stream.linear.scatter @!p0 [tilespmem:s30], [sflag:$0x2], $0x800, $0x38;
	[tilespmem:$0x5010] =	vst v63  }
0x7d: {  	s0 =	simm.s32 @!p0 $0x2  }
0x7e: {  	_ =	swait.ge @!p0 [sflag:s0], $0x800  }
0x7f: {  	p1 =	slt.u32 @!p0 s29, $0x101;
	[sflag:s0] =	ssyncset.done @!p0 $0x0  }
0x80: {  	[sflag:s0] =	ssyncadd.s32 @!p0 $0xFFFFF800;
	p0 =	por p0, p1  }
0x81: {  	s0 =	simm.s32 @!p0 $0x80;
	s1 =	simm.s32 @!p0 $0xD00;
	s30 =	simm.s32 @!p0 $0x2000  }
0x82: {  	[tilespmem:s30], [sflag:$0x1] =	stream.indirect.gather @!p0 [hbm4b:s2+s0], $0x10, s1, s0, $0xb8;
	[tilespmem:$0x5010] =	vst v63  }
0x83: {  	s0 =	simm.s32 @!p0 $0x1  }
0x84: {  	_ =	swait.ge @!p0 [sflag:s0], $0x800  }
0x85: {  	[sflag:s0] =	ssyncset.done @!p0 $0x0  }
0x86: {  	[sflag:s0] =	ssyncadd.s32 @!p0 $0xFFFFF800;
	s0 =	simm.s32 @!p0 $0x0  }
0x87: {  	[hbm4b:s12+s0] =	stream.linear.scatter @!p0 [tilespmem:s30], [sflag:$0x2], $0x800, $0x38;
	[tilespmem:$0x5010] =	vst v63  }
0x88: {  	s0 =	simm.s32 @!p0 $0x2  }
0x89: {  	_ =	swait.ge @!p0 [sflag:s0], $0x800  }
0x8a: {  	p1 =	slt.u32 @!p0 s29, $0x181;
	[sflag:s0] =	ssyncset.done @!p0 $0x0  }
0x8b: {  	[sflag:s0] =	ssyncadd.s32 @!p0 $0xFFFFF800;
	p0 =	por p0, p1  }
0x8c: {  	s0 =	simm.s32 @!p0 $0x80;
	s1 =	simm.s32 @!p0 $0xD80;
	s30 =	simm.s32 @!p0 $0x2800  }
0x8d: {  	[tilespmem:s30], [sflag:$0x1] =	stream.indirect.gather @!p0 [hbm4b:s2+s0], $0x10, s1, s0, $0xb8;
	[tilespmem:$0x5010] =	vst v63  }
0x8e: {  	s0 =	simm.s32 @!p0 $0x1  }
0x8f: {  	_ =	swait.ge @!p0 [sflag:s0], $0x800  }
0x90: {  	p1 =	slt.u32 @!p0 s29, $0x201;
	[sflag:s0] =	ssyncset.done @!p0 $0x0  }
0x91: {  	p1 =	por p0, p1;
	[sflag:s0] =	ssyncadd.s32 @!p0 $0xFFFFF800;
	s0 =	simm.s32 @!p0 $0x0  }
0x92: {  	[hbm4b:s13+s0] =	stream.linear.scatter @!p0 [tilespmem:s30], [sflag:$0x2], $0x800, $0x38;
	[tilespmem:$0x5010] =	vst v63  }
.Ltmp4:
0x93: {  	_ = 	snop;
	(pc) =	sbr.rel @p1 .LBB2_7-.Ltmp4, $4  }
0x94: {  	s0 =	simm.s32 @!p0 $0x2  }
0x95: {  	_ =	swait.ge @!p0 [sflag:s0], $0x800  }
0x96: {  	[sflag:s0] =	ssyncset.done @!p0 $0x0  }
0x97: {  	[sflag:s0] =	ssyncadd.s32 @!p0 $0xFFFFF800  }
0x98: {  	[tilespmem:s26], [sflag:$0x1] =	stream.indirect.gather [hbm4b:s2+s24], $0x10, s25, s24, $0xb8;
	[tilespmem:$0x5010] =	vst v63  }
0x99: {  	_ =	swait.ge [sflag:s4], $0x800  }
0x9a: {  	[sflag:s4] =	ssyncset.done $0x0  }
0x9b: {  	[sflag:s4] =	ssyncadd.s32 $0xFFFFF800  }
0x9c: {  	[hbm4b:s14+s3] =	stream.linear.scatter [tilespmem:s26], [sflag:$0x2], $0x800, $0x38;
	[tilespmem:$0x5010] =	vst v63  }
0x9d: {  	p0 =	slt.u32 s29, $0x281;
	_ =	swait.ge [sflag:s19], $0x800  }
0x9e: {  	s0 =	simm.s32 @!p0 $0x80;
	[sflag:s19] =	ssyncset.done $0x0  }
0x9f: {  	s1 =	simm.s32 @!p0 $0xE80;
	s30 =	simm.s32 @!p0 $0x3800;
	[sflag:s19] =	ssyncadd.s32 $0xFFFFF800  }
0xa0: {  	[tilespmem:s30], [sflag:$0x1] =	stream.indirect.gather @!p0 [hbm4b:s2+s0], $0x10, s1, s0, $0xb8;
	[tilespmem:$0x5010] =	vst v63  }
0xa1: {  	s0 =	simm.s32 @!p0 $0x1  }
0xa2: {  	_ =	swait.ge @!p0 [sflag:s0], $0x800  }
0xa3: {  	[sflag:s0] =	ssyncset.done @!p0 $0x0  }
0xa4: {  	[sflag:s0] =	ssyncadd.s32 @!p0 $0xFFFFF800;
	s0 =	simm.s32 @!p0 $0x0  }
0xa5: {  	[hbm4b:s15+s0] =	stream.linear.scatter @!p0 [tilespmem:s30], [sflag:$0x2], $0x800, $0x38;
	[tilespmem:$0x5010] =	vst v63  }
0xa6: {  	p1 =	slt.u32 @!p0 s29, $0x301;
	s0 =	simm.s32 @!p0 $0x2  }
0xa7: {  	p2 =	por p1, p0;
	_ =	swait.ge @!p0 [sflag:s0], $0x800  }
0xa8: {  	s1 =	simm.s32 @!p2 $0xF00;
	[sflag:s0] =	ssyncset.done @!p0 $0x0  }
0xa9: {  	s30 =	simm.s32 @!p2 $0x4000;
	[sflag:s0] =	ssyncadd.s32 @!p0 $0xFFFFF800;
	s0 =	simm.s32 @!p2 $0x80  }
0xaa: {  	[tilespmem:s30], [sflag:$0x1] =	stream.indirect.gather @!p2 [hbm4b:s2+s0], $0x10, s1, s0, $0xb8;
	[tilespmem:$0x5010] =	vst v63  }
0xab: {  	s0 =	simm.s32 @!p2 $0x1  }
0xac: {  	_ =	swait.ge @!p2 [sflag:s0], $0x800  }
0xad: {  	[sflag:s0] =	ssyncset.done @!p2 $0x0  }
0xae: {  	p3 =	slt.u32 @!p2 s29, $0x381;
	[sflag:s0] =	ssyncadd.s32 @!p2 $0xFFFFF800;
	s0 =	simm.s32 @!p2 $0x0  }
0xaf: {  	[hbm4b:s16+s0] =	stream.linear.scatter @!p2 [tilespmem:s30], [sflag:$0x2], $0x800, $0x38;
	[tilespmem:$0x5010] =	vst v63  }
0xb0: {  	p1 =	por @!p0 p3, p1;
	s0 =	simm.s32 @!p2 $0x2  }
0xb1: {  	p0 =	por p1, p0;
	_ =	swait.ge @!p2 [sflag:s0], $0x800  }
0xb2: {  	s1 =	simm.s32 @!p0 $0xF80;
	[sflag:s0] =	ssyncset.done @!p2 $0x0  }
0xb3: {  	s29 =	simm.s32 @!p0 $0x4800;
	[sflag:s0] =	ssyncadd.s32 @!p2 $0xFFFFF800;
	s0 =	simm.s32 @!p0 $0x80  }
0xb4: {  	[tilespmem:s29], [sflag:$0x1] =	stream.indirect.gather @!p0 [hbm4b:s2+s0], $0x10, s1, s0, $0xb8;
	[tilespmem:$0x5010] =	vst v63  }
0xb5: {  	s0 =	simm.s32 @!p0 $0x1  }
0xb6: {  	_ =	swait.ge @!p0 [sflag:s0], $0x800  }
0xb7: {  	[sflag:s0] =	ssyncset.done @!p0 $0x0  }
0xb8: {  	[sflag:s0] =	ssyncadd.s32 @!p0 $0xFFFFF800;
	s0 =	simm.s32 @!p0 $0x0  }
0xb9: {  	[hbm4b:s17+s0] =	stream.linear.scatter @!p0 [tilespmem:s29], [sflag:$0x2], $0x800, $0x38;
	[tilespmem:$0x5010] =	vst v63  }
.Ltmp5:
0xba: {  	_ = 	snop;
	(pc) =	sbr.rel .LBB2_7-.Ltmp5, $4  }
0xbb: {  	s0 =	simm.s32 @!p0 $0x2  }
0xbc: {  	_ =	swait.ge @!p0 [sflag:s0], $0x800  }
0xbd: {  	[sflag:s0] =	ssyncset.done @!p0 $0x0  }
0xbe: {  	[sflag:s0] =	ssyncadd.s32 @!p0 $0xFFFFF800  }
.LBB2_8:
0xbf: {  	_ =	sfence.sel $0x180000  }
0xc0: {  	[bflag:$0x0] =	sbarrier.arrive $0xFFFF  }
0xc1: {  	_ =	strace $0x9000004A  }
0xc2: {  	s0 =	stileid.u32;
	[bflag:$0x2] =	sbarrier.arrive $0xFFFF  }
0xc3: {  	p0 =	sne.s32 s0, $0x0;
	s0 =	rddreg [dreg:$0x2]  }
0xc4: {  	s0 =	sadd.s32 @!p0 $0x100000, s0  }
0xc5: {  	[sflag:s0] =	ssyncadd.tile.s32 @!p0 $0x1;
	_ =	shalt  }
.Lfunc_end2:
_tile_overlayer_lowered:
.L_overlay_start_2:
0xc6: {  	(tag) =	ssettag $0x2  }
0xc7: {  	s0 =	rddreg [dreg:$0x0];
	s2 =	stileid.u32  }
0xc8: {  	s1 =	rddreg [dreg:$0x1];
	p0 =	sne.s32 s2, $0x0  }
0xc9: {  	s3 =	rddreg [dreg:$0x2];
	[bflag:$0x3] =	sbarrier.arrive $0xFFFF;
	s2 =	simm.s32 @!p0 $0x1C02  }
0xca: {  	[timem:s3], [sflag:s2] =	dma.local @!p0 [hbm:s0], s1  }
0xcb: {  	s0 =	simm.s32 @!p0 $0x2  }
0xcc: {  	_ =	swait.ge @!p0 [sflag:s0], s1  }
0xcd: {  	s1 =	ssub.s32 @!p0 $0x0, s1;
	[sflag:s0] =	ssyncset.done @!p0 $0x0  }
0xce: {  	[sflag:s0] =	ssyncadd.s32 @!p0 s1  }
0xcf: {  	[bflag:$0x3] =	sbarrier.arrive $0xFFFF  }
0xd0: {  	_ =	shalt  }

</sc_bundles>
